<compile_context>
chip_gen: v7x
topology: tpu7x:2x2x1
jax: 0.10.2.dev20260603
libtpu: 0.0.44.dev20260713+nightly
codegen_flags: <defaults>
</compile_context>

<pallas_src>
import functools

import jax
import jax.numpy as jnp
from jax import lax
from jax.experimental import pallas as pl
from jax.experimental.pallas import tpu as pltpu
from jax.experimental.pallas import tpu_sc as plsc

N_NODES = 10000
N_EDGES = 320000
D_IN = 128
D_HID = 128

NC = 2
NS = 16
NW = NC * NS
EPT = N_EDGES // NW
CH = 128
CPT = 80
EPADT = CPT * CH
TRASH = N_NODES
ACC_ROWS = N_NODES + 8
NBUF = 2
NIB = 4
RPT = 624
REM = N_NODES - NS * RPT
ZREM = ACC_ROWS - NS * RPT

_BLK = 2000
_GRID = N_NODES // _BLK



def _build_sc_sync(with_cnt, ch=80, cpt=125):
    D = D_HID
    mesh = plsc.VectorSubcoreMesh(core_axis_name="c", subcore_axis_name="s",
                                  num_cores=NC, num_subcores=NS)
    out_type = [jax.ShapeDtypeStruct((2 * N_NODES, D), jnp.float32)]
    if with_cnt:
        out_type.append(jax.ShapeDtypeStruct((2 * N_NODES, 16), jnp.float32))
    scratch = [
        pltpu.VMEM((cpt, ch), jnp.int32),
        pltpu.VMEM((cpt, ch), jnp.int32),
        pltpu.VMEM((ch, D), jnp.float32),
    ]
    if with_cnt:
        scratch += [pltpu.VMEM((ch, 16), jnp.float32)]
    scratch += [pltpu.VMEM_SHARED((ACC_ROWS, D), jnp.float32)]
    if with_cnt:
        scratch += [pltpu.VMEM_SHARED((ACC_ROWS, 16), jnp.float32)]
    scratch += [pltpu.SemaphoreType.DMA]

    @functools.partial(
        pl.kernel, mesh=mesh,
        compiler_params=pltpu.CompilerParams(use_tc_tiling_on_sc=False),
        out_type=out_type,
        scratch_types=scratch,
    )
    def k(*refs):
        if with_cnt:
            (src2_hbm, dst2_hbm, y_hbm, zd_hbm, z16_hbm, ones_hbm,
             out_hbm, cnt_hbm, idxs_v, idxd_v, rows_v, ones_v,
             acc_sh, cacc_sh, sem) = refs
        else:
            (src2_hbm, dst2_hbm, y_hbm, zd_hbm,
             out_hbm, idxs_v, idxd_v, rows_v, acc_sh, sem) = refs

        c = lax.axis_index("c")
        s = lax.axis_index("s")
        wid = c * NS + s
        rbase = s * RPT

        pltpu.sync_copy(zd_hbm, acc_sh.at[pl.ds(rbase, RPT)])
        if with_cnt:
            pltpu.sync_copy(z16_hbm, cacc_sh.at[pl.ds(rbase, RPT)])
            pltpu.sync_copy(ones_hbm, ones_v)

        @pl.when(s == 0)
        def _():
            pltpu.sync_copy(zd_hbm.at[pl.ds(0, ZREM)],
                            acc_sh.at[pl.ds(NS * RPT, ZREM)])
            if with_cnt:
                pltpu.sync_copy(z16_hbm.at[pl.ds(0, ZREM)],
                                cacc_sh.at[pl.ds(NS * RPT, ZREM)])

        pltpu.sync_copy(src2_hbm.at[pl.ds(wid * cpt, cpt)], idxs_v)
        pltpu.sync_copy(dst2_hbm.at[pl.ds(wid * cpt, cpt)], idxd_v)
        plsc.subcore_barrier()

        def chunk(g, carry):
            pltpu.async_copy(y_hbm.at[idxs_v.at[g]], rows_v, sem).wait()
            pltpu.sync_copy(rows_v, acc_sh.at[idxd_v.at[g]], add=True)
            if with_cnt:
                pltpu.sync_copy(ones_v, cacc_sh.at[idxd_v.at[g]], add=True)
            return carry

        lax.fori_loop(0, cpt, chunk, 0)
        plsc.subcore_barrier()

        obase = c * N_NODES + rbase
        pltpu.sync_copy(acc_sh.at[pl.ds(rbase, RPT)],
                        out_hbm.at[pl.ds(obase, RPT)])
        if with_cnt:
            pltpu.sync_copy(cacc_sh.at[pl.ds(rbase, RPT)],
                            cnt_hbm.at[pl.ds(obase, RPT)])

        @pl.when(s == 0)
        def _():
            pltpu.sync_copy(acc_sh.at[pl.ds(NS * RPT, REM)],
                            out_hbm.at[pl.ds(c * N_NODES + NS * RPT, REM)])
            if with_cnt:
                pltpu.sync_copy(cacc_sh.at[pl.ds(NS * RPT, REM)],
                                cnt_hbm.at[pl.ds(c * N_NODES + NS * RPT, REM)])

    return k


def _build_sc(D, with_cnt, stage_y):
    mesh = plsc.VectorSubcoreMesh(core_axis_name="c", subcore_axis_name="s",
                                  num_cores=NC, num_subcores=NS)
    out_type = [jax.ShapeDtypeStruct((2 * N_NODES, D), jnp.float32)]
    if with_cnt:
        out_type.append(jax.ShapeDtypeStruct((2 * N_NODES, 16), jnp.float32))
    scratch = [pltpu.VMEM((CH,), jnp.int32) for _ in range(2 * NIB)]
    scratch += [pltpu.VMEM((CH, D), jnp.float32) for _ in range(NBUF)]
    scratch += [pltpu.VMEM_SHARED((ACC_ROWS, D), jnp.float32)]
    if stage_y:
        scratch += [pltpu.VMEM_SHARED((N_NODES, D), jnp.float32)]
    if with_cnt:
        scratch += [pltpu.VMEM((CH, 16), jnp.float32),
                    pltpu.VMEM_SHARED((ACC_ROWS, 16), jnp.float32)]
    n_sems = 2 * NBUF + NIB + (NBUF if with_cnt else 0)
    scratch += [pltpu.SemaphoreType.DMA] * n_sems

    @functools.partial(
        pl.kernel, mesh=mesh,
        compiler_params=pltpu.CompilerParams(use_tc_tiling_on_sc=False),
        out_type=out_type,
        scratch_types=scratch,
    )
    def k(*refs):
        n_in = 6 if with_cnt else 4
        (src2_hbm, dst2_hbm, y_hbm, zd_hbm) = refs[:4]
        if with_cnt:
            z16_hbm, ones_hbm = refs[4:6]
        pos = n_in
        out_hbm = refs[pos]; pos += 1
        if with_cnt:
            cnt_hbm = refs[pos]; pos += 1
        idxs_ring = list(refs[pos:pos + NIB]); pos += NIB
        idxd_ring = list(refs[pos:pos + NIB]); pos += NIB
        rows = list(refs[pos:pos + NBUF]); pos += NBUF
        acc_sh = refs[pos]; pos += 1
        if stage_y:
            y_sh = refs[pos]; pos += 1
        if with_cnt:
            ones_v = refs[pos]; cacc_sh = refs[pos + 1]; pos += 2
        gsems = list(refs[pos:pos + NBUF]); pos += NBUF
        ssems = list(refs[pos:pos + NBUF]); pos += NBUF
        isems = list(refs[pos:pos + NIB]); pos += NIB
        if with_cnt:
            csems = list(refs[pos:pos + NBUF]); pos += NBUF

        c = lax.axis_index("c")
        s = lax.axis_index("s")
        wid = c * NS + s
        rbase = s * RPT

        pltpu.sync_copy(zd_hbm, acc_sh.at[pl.ds(rbase, RPT)])
        if with_cnt:
            pltpu.sync_copy(z16_hbm, cacc_sh.at[pl.ds(rbase, RPT)])
            pltpu.sync_copy(ones_hbm, ones_v)
        if stage_y:
            pltpu.sync_copy(y_hbm.at[pl.ds(rbase, RPT)],
                            y_sh.at[pl.ds(rbase, RPT)])

        @pl.when(s == 0)
        def _():
            pltpu.sync_copy(zd_hbm.at[pl.ds(0, ZREM)],
                            acc_sh.at[pl.ds(NS * RPT, ZREM)])
            if with_cnt:
                pltpu.sync_copy(z16_hbm.at[pl.ds(0, ZREM)],
                                cacc_sh.at[pl.ds(NS * RPT, ZREM)])
            if stage_y:
                pltpu.sync_copy(y_hbm.at[pl.ds(NS * RPT, REM)],
                                y_sh.at[pl.ds(NS * RPT, REM)])

        plsc.subcore_barrier()

        gsrc = y_sh if stage_y else y_hbm
        ibase = wid * CPT

        def fire_idx(g, q):
            pltpu.async_copy(src2_hbm.at[ibase + g], idxs_ring[q], isems[q])
            pltpu.async_copy(dst2_hbm.at[ibase + g], idxd_ring[q], isems[q])

        def wait_idx(q):
            pltpu.make_async_copy(src2_hbm.at[ibase], idxs_ring[q],
                                  isems[q]).wait()
            pltpu.make_async_copy(dst2_hbm.at[ibase], idxd_ring[q],
                                  isems[q]).wait()

        def fire_gather(q, rb):
            pltpu.async_copy(gsrc.at[idxs_ring[q]], rows[rb], gsems[rb])

        def wait_gather(rb):
            pltpu.make_async_copy(gsrc.at[idxs_ring[0]], rows[rb],
                                  gsems[rb]).wait()

        def fire_scatter(q, rb):
            pltpu.async_copy(rows[rb], acc_sh.at[idxd_ring[q]], ssems[rb],
                             add=True)
            if with_cnt:
                pltpu.async_copy(ones_v, cacc_sh.at[idxd_ring[q]], csems[rb],
                                 add=True)

        def wait_scatter(rb):
            pltpu.make_async_copy(rows[rb], acc_sh.at[idxd_ring[0]],
                                  ssems[rb]).wait()
            if with_cnt:
                pltpu.make_async_copy(ones_v, cacc_sh.at[idxd_ring[0]],
                                      csems[rb]).wait()

        for q in range(NIB):
            fire_idx(q, q)
        wait_idx(0)
        fire_gather(0, 0)

        def outer(i, carry):
            for b in range(NIB):
                g = i * NIB + b
                rb = b % NBUF
                wait_gather(rb)
                fire_scatter(b, rb)
                gf = g + 1
                rbf = (b + 1) % NBUF
                qf = (b + 1) % NIB

                @pl.when(gf < CPT)
                def _():
                    @pl.when(gf >= NBUF)
                    def _():
                        wait_scatter(rbf)
                        gi = g + NIB - 1
                        qi = (b + NIB - 1) % NIB

                        @pl.when(gi < CPT)
                        def _():
                            fire_idx(gi, qi)
                    wait_idx(qf)
                    fire_gather(qf, rbf)
            return carry

        lax.fori_loop(0, CPT // NIB, outer, 0)
        for rb in range(NBUF):
            wait_scatter(rb)
        plsc.subcore_barrier()

        obase = c * N_NODES + rbase
        pltpu.sync_copy(acc_sh.at[pl.ds(rbase, RPT)],
                        out_hbm.at[pl.ds(obase, RPT)])
        if with_cnt:
            pltpu.sync_copy(cacc_sh.at[pl.ds(rbase, RPT)],
                            cnt_hbm.at[pl.ds(obase, RPT)])

        @pl.when(s == 0)
        def _():
            pltpu.sync_copy(acc_sh.at[pl.ds(NS * RPT, REM)],
                            out_hbm.at[pl.ds(c * N_NODES + NS * RPT, REM)])
            if with_cnt:
                pltpu.sync_copy(cacc_sh.at[pl.ds(NS * RPT, REM)],
                                cnt_hbm.at[pl.ds(c * N_NODES + NS * RPT, REM)])

    return k



def _mm_t(a, w):
    return lax.dot_general(a, w, (((1,), (1,)), ((), ())),
                           preferred_element_type=jnp.float32)


def _pre_body(x_ref, wl_ref, wr_ref, u_ref, r_ref):
    xb = x_ref[...]
    u_ref[...] = _mm_t(xb, wl_ref[...])
    r_ref[...] = _mm_t(xb, wr_ref[...])


def _mid1_body(sa_ref, sb_ref, ca_ref, cb_ref, r_ref, b_ref, wl_ref, wr_ref,
               u2_ref, r2_ref, inv_ref):
    cnt = ca_ref[...][:, 0:1] + cb_ref[...][:, 0:1]
    inv = 1.0 / jnp.maximum(cnt, 1.0)
    h = jnp.maximum((sa_ref[...] + sb_ref[...]) * inv + b_ref[...] + r_ref[...],
                    0.0)
    u2_ref[...] = _mm_t(h, wl_ref[...])
    r2_ref[...] = _mm_t(h, wr_ref[...])
    inv_ref[...] = jnp.broadcast_to(inv, (inv.shape[0], 16))


def _mid2_body(sa_ref, sb_ref, inv_ref, r_ref, b_ref, wl_ref, wr_ref,
               u3_ref, r3_ref):
    inv = inv_ref[...][:, 0:1]
    h = jnp.maximum((sa_ref[...] + sb_ref[...]) * inv + b_ref[...] + r_ref[...],
                    0.0)
    u3_ref[...] = _mm_t(h, wl_ref[...])
    r3_ref[...] = _mm_t(h, wr_ref[...])


def _final_body(sa_ref, sb_ref, inv_ref, r_ref, b_ref, o_ref):
    inv = inv_ref[...][:, 0:1]
    o_ref[...] = (sa_ref[...] + sb_ref[...]) * inv + b_ref[...] + r_ref[...]


def _row_blk(d):
    return pl.BlockSpec((_BLK, d), lambda i: (i, 0))


def _row_blk_hi(d):
    return pl.BlockSpec((_BLK, d), lambda i: (i + _GRID, 0))


def _full_blk(r, c):
    return pl.BlockSpec((r, c), lambda i: (0, 0))



def kernel(x, edge_index, Wl1, Wr1, b1, Wl2, Wr2, b2, Wl3, Wr3, b3):
    f32 = jnp.float32
    i32 = jnp.int32
    src = edge_index[0].astype(i32)
    dst = edge_index[1].astype(i32)

    src2 = (jnp.zeros((NW, EPADT), i32)
            .at[:, :EPT].set(src.reshape(NW, EPT))
            .reshape(NW * CPT, CH))
    dst2 = (jnp.full((NW, EPADT), TRASH, i32)
            .at[:, :EPT].set(dst.reshape(NW, EPT))
            .reshape(NW * CPT, CH))
    src2s = src.reshape(NW * 125, 80)
    dst2s = dst.reshape(NW * 125, 80)

    zeros128 = jnp.zeros((RPT, D_HID), f32)
    zeros16 = jnp.zeros((RPT, 16), f32)
    ones16 = jnp.ones((80, 16), f32)
    Wl3p = jnp.zeros((16, D_HID), f32).at[:2].set(Wl3)
    Wr3p = jnp.zeros((16, D_HID), f32).at[:2].set(Wr3)
    b3p = jnp.zeros((1, 16), f32).at[0, :2].set(b3)
    b1r = b1.reshape(1, D_HID)
    b2r = b2.reshape(1, D_HID)

    u1, r1 = pl.pallas_call(
        _pre_body,
        grid=(_GRID,),
        in_specs=[_row_blk(D_IN), _full_blk(D_HID, D_IN), _full_blk(D_HID, D_IN)],
        out_specs=[_row_blk(D_HID), _row_blk(D_HID)],
        out_shape=[jax.ShapeDtypeStruct((N_NODES, D_HID), f32)] * 2,
    )(x, Wl1, Wr1)

    s1, cnt = jax.tree.leaves(_build_sc_sync(with_cnt=True)(
        src2s, dst2s, u1, zeros128, zeros16, ones16))

    u2, r2, inv16 = pl.pallas_call(
        _mid1_body,
        grid=(_GRID,),
        in_specs=[_row_blk(D_HID), _row_blk_hi(D_HID),
                  _row_blk(16), _row_blk_hi(16),
                  _row_blk(D_HID), _full_blk(1, D_HID),
                  _full_blk(D_HID, D_HID), _full_blk(D_HID, D_HID)],
        out_specs=[_row_blk(D_HID), _row_blk(D_HID), _row_blk(16)],
        out_shape=[jax.ShapeDtypeStruct((N_NODES, D_HID), f32),
                   jax.ShapeDtypeStruct((N_NODES, D_HID), f32),
                   jax.ShapeDtypeStruct((N_NODES, 16), f32)],
    )(s1, s1, cnt, cnt, r1, b1r, Wl2, Wr2)

    s2 = jax.tree.leaves(_build_sc_sync(with_cnt=False)(
        src2s, dst2s, u2, zeros128))[0]

    u3, r3 = pl.pallas_call(
        _mid2_body,
        grid=(_GRID,),
        in_specs=[_row_blk(D_HID), _row_blk_hi(D_HID), _row_blk(16),
                  _row_blk(D_HID), _full_blk(1, D_HID),
                  _full_blk(16, D_HID), _full_blk(16, D_HID)],
        out_specs=[_row_blk(16), _row_blk(16)],
        out_shape=[jax.ShapeDtypeStruct((N_NODES, 16), f32)] * 2,
    )(s2, s2, inv16, r2, b2r, Wl3p, Wr3p)

    s3 = jax.tree.leaves(_build_sc(16, with_cnt=False, stage_y=True)(
        src2, dst2, u3, zeros16))[0]

    out16 = pl.pallas_call(
        _final_body,
        grid=(_GRID,),
        in_specs=[_row_blk(16), _row_blk_hi(16), _row_blk(16), _row_blk(16),
                  _full_blk(1, 16)],
        out_specs=_row_blk(16),
        out_shape=jax.ShapeDtypeStruct((N_NODES, 16), f32),
    )(s3, s3, inv16, r3, b3p)

    return out16[:, :2]

# --- scband reference (transcript-rebuilt; emitter-appended) ---
"""Pipeline reference for scband-graph-sagenode-classifier-43490838839925 (READ-ONLY COPY).

The authoritative reference and input builder live on the scoring server;
editing this copy changes nothing except your own understanding.
"""

import jax, jax.numpy as jnp
import numpy as np

N_NODES = 10000
N_EDGES = 320000
D_IN = 128
D_HID = 128
D_OUT = 2


def _glorot(key, shape):
    fan_in, fan_out = shape[1], shape[0]
    lim = float(np.sqrt(6.0 / (fan_in + fan_out)))
    return jax.random.uniform(key, shape, dtype=jnp.float32, minval=-lim, maxval=lim)


def setup_inputs(seed: int = 0) -> dict:
    key = jax.random.key(seed)
    ks = jax.random.split(key, 12)
    x = jax.random.normal(ks[0], (N_NODES, D_IN), dtype=jnp.float32)
    edge_index = jax.random.randint(ks[1], (2, N_EDGES), 0, N_NODES, dtype=jnp.int64 if jax.config.jax_enable_x64 else jnp.int32)
    # SAGEConv params: lin_l acts on aggregated neighbors (with bias), lin_r acts on root (no bias)
    Wl1 = _glorot(ks[2], (D_HID, D_IN)); Wr1 = _glorot(ks[3], (D_HID, D_IN)); b1 = jnp.zeros((D_HID,), jnp.float32)
    Wl2 = _glorot(ks[4], (D_HID, D_HID)); Wr2 = _glorot(ks[5], (D_HID, D_HID)); b2 = jnp.zeros((D_HID,), jnp.float32)
    Wl3 = _glorot(ks[6], (D_OUT, D_HID)); Wr3 = _glorot(ks[7], (D_OUT, D_HID)); b3 = jnp.zeros((D_OUT,), jnp.float32)
    return {"x": x, "edge_index": edge_index,
            "Wl1": Wl1, "Wr1": Wr1, "b1": b1,
            "Wl2": Wl2, "Wr2": Wr2, "b2": b2,
            "Wl3": Wl3, "Wr3": Wr3, "b3": b3}


def _sage_conv(x, edge_index, Wl, Wr, b):
    src = edge_index[0]
    dst = edge_index[1]
    msg = jnp.take(x, src, axis=0)                       # gather source node feats
    agg = jax.ops.segment_sum(msg, dst, num_segments=N_NODES)  # scatter-add by dst
    cnt = jax.ops.segment_sum(jnp.ones((msg.shape[0],), jnp.float32), dst, num_segments=N_NODES)
    agg = agg / jnp.maximum(cnt, 1.0)[:, None]           # mean aggregation
    return agg @ Wl.T + b + x @ Wr.T


def reference(x, edge_index, Wl1, Wr1, b1, Wl2, Wr2, b2, Wl3, Wr3, b3):
    # eval mode: dropout is identity
    h = _sage_conv(x, edge_index, Wl1, Wr1, b1)
    h = jax.nn.relu(h)
    h = _sage_conv(h, edge_index, Wl2, Wr2, b2)
    h = jax.nn.relu(h)
    out = _sage_conv(h, edge_index, Wl3, Wr3, b3)
    return out

if __name__ == "__main__":
    import jax
    _d = setup_inputs()
    print(jax.jit(kernel)(*tuple(_d.values())))

</pallas_src>

<mosaic_0001>
#map = affine_map<(d0, d1) -> (0, 0)>
module attributes {stable_mosaic.version = 14 : i64} {
  func.func @k(%arg0: i32, %arg1: i32, %arg2: memref<4000x80xi32, #tpu.memory_space<hbm>>, %arg3: memref<4000x80xi32, #tpu.memory_space<hbm>>, %arg4: memref<10000x128xf32, #tpu.memory_space<hbm>>, %arg5: memref<624x128xf32, #tpu.memory_space<hbm>>, %arg6: memref<20000x128xf32, #tpu.memory_space<hbm>>, %arg7: memref<125x80xi32, #tpu.memory_space<vmem>>, %arg8: memref<125x80xi32, #tpu.memory_space<vmem>>, %arg9: memref<80x128xf32, #tpu.memory_space<vmem>>, %arg10: memref<10008x128xf32, #tpu.memory_space<vmem_shared>>, %arg11: memref<!tpu.dma_semaphore, #tpu.memory_space<semaphore_mem>>) attributes {dimension_semantics = [#tpu.dimension_semantics<core_parallel>, #tpu.dimension_semantics<subcore_parallel>], iteration_bounds = array<i64: 2, 16>, scalar_prefetch = 0 : i64, scratch_operands = 5 : i64, tpu.core_type = #tpu.core_type<sc_vector_subcore>, window_params = [{transform_indices = #map}, {transform_indices = #map}, {transform_indices = #map}, {transform_indices = #map}, {transform_indices = #map}]} {
    %mul3A = arith.constant 16 : i32
    %mul3A_0 = arith.muli %arg0, %mul3A : i32
    %add3A = arith.addi %mul3A_0, %arg1 : i32
    %mul3A_1 = arith.constant 624 : i32
    %mul3A_2 = arith.muli %arg1, %mul3A_1 : i32
    "tpu.region"() ({
      %run_scoped3A = tpu.sem_alloc : memref<!tpu.dma_semaphore, #tpu.memory_space<semaphore_mem>>
      %dma_start3A = arith.constant 0 : i32
      %dma_start3A_23 = tpu.memref_slice %arg10[%mul3A_2, %dma_start3A] : memref<10008x128xf32, #tpu.memory_space<vmem_shared>> -> memref<624x128xf32, #tpu.memory_space<vmem_shared>>
      tpu.enqueue_dma source(%arg5 : memref<624x128xf32, #tpu.memory_space<hbm>>) target(%dma_start3A_23 : memref<624x128xf32, #tpu.memory_space<vmem_shared>>) target_semaphore(%run_scoped3A : memref<!tpu.dma_semaphore, #tpu.memory_space<semaphore_mem>>)
      %dma_wait3A = arith.constant 0 : i32
      %dma_wait3A_24 = tpu.memref_slice %arg10[%mul3A_2, %dma_wait3A] : memref<10008x128xf32, #tpu.memory_space<vmem_shared>> -> memref<624x128xf32, #tpu.memory_space<vmem_shared>>
      tpu.wait_dma2 semaphore(%run_scoped3A : memref<!tpu.dma_semaphore, #tpu.memory_space<semaphore_mem>>) src(%arg5 : memref<624x128xf32, #tpu.memory_space<hbm>>) dst(%dma_wait3A_24 : memref<624x128xf32, #tpu.memory_space<vmem_shared>>)
      tpu.yield
    }) : () -> ()
    %eq3A = arith.constant 0 : i32
    %eq3A_3 = arith.cmpi eq, %arg1, %eq3A : i32
    %convert_element_type3A = arith.extui %eq3A_3 : i1 to i32
    %cond3A = arith.constant 0 : i32
    %cond3A_4 = arith.cmpi ne, %convert_element_type3A, %cond3A : i32
    scf.if %cond3A_4 {
      "tpu.region"() ({
        %run_scoped3A = tpu.sem_alloc : memref<!tpu.dma_semaphore, #tpu.memory_space<semaphore_mem>>
        %dma_start3A = arith.constant 9984 : i32
        %dma_start3A_23 = arith.constant 0 : i32
        %dma_start3A_24 = tpu.memref_slice %arg10[%dma_start3A, %dma_start3A_23] : memref<10008x128xf32, #tpu.memory_space<vmem_shared>> -> memref<24x128xf32, #tpu.memory_space<vmem_shared>>
        %dma_start3A_25 = arith.constant 0 : i32
        %dma_start3A_26 = arith.constant 0 : i32
        %dma_start3A_27 = tpu.memref_slice %arg5[%dma_start3A_25, %dma_start3A_26] : memref<624x128xf32, #tpu.memory_space<hbm>> -> memref<24x128xf32, #tpu.memory_space<hbm>>
        tpu.enqueue_dma source(%dma_start3A_27 : memref<24x128xf32, #tpu.memory_space<hbm>>) target(%dma_start3A_24 : memref<24x128xf32, #tpu.memory_space<vmem_shared>>) target_semaphore(%run_scoped3A : memref<!tpu.dma_semaphore, #tpu.memory_space<semaphore_mem>>)
        %dma_wait3A = arith.constant 9984 : i32
        %dma_wait3A_28 = arith.constant 0 : i32
        %dma_wait3A_29 = tpu.memref_slice %arg10[%dma_wait3A, %dma_wait3A_28] : memref<10008x128xf32, #tpu.memory_space<vmem_shared>> -> memref<24x128xf32, #tpu.memory_space<vmem_shared>>
        %dma_wait3A_30 = arith.constant 0 : i32
        %dma_wait3A_31 = arith.constant 0 : i32
        %dma_wait3A_32 = tpu.memref_slice %arg5[%dma_wait3A_30, %dma_wait3A_31] : memref<624x128xf32, #tpu.memory_space<hbm>> -> memref<24x128xf32, #tpu.memory_space<hbm>>
        tpu.wait_dma2 semaphore(%run_scoped3A : memref<!tpu.dma_semaphore, #tpu.memory_space<semaphore_mem>>) src(%dma_wait3A_32 : memref<24x128xf32, #tpu.memory_space<hbm>>) dst(%dma_wait3A_29 : memref<24x128xf32, #tpu.memory_space<vmem_shared>>)
        tpu.yield
      }) : () -> ()
    } else {
    }
    %mul3A_5 = arith.constant 125 : i32
    %mul3A_6 = arith.muli %add3A, %mul3A_5 : i32
    "tpu.region"() ({
      %run_scoped3A = tpu.sem_alloc : memref<!tpu.dma_semaphore, #tpu.memory_space<semaphore_mem>>
      %dma_start3A = arith.constant 0 : i32
      %dma_start3A_23 = tpu.memref_slice %arg2[%mul3A_6, %dma_start3A] : memref<4000x80xi32, #tpu.memory_space<hbm>> -> memref<125x80xi32, #tpu.memory_space<hbm>>
      %dma_start3A_24 = arith.constant 0 : i32
      %dma_start3A_25 = tpu.memref_slice %arg2[%mul3A_6, %dma_start3A_24] : memref<4000x80xi32, #tpu.memory_space<hbm>> -> memref<125x80xi32, #tpu.memory_space<hbm>>
      tpu.enqueue_dma source(%dma_start3A_25 : memref<125x80xi32, #tpu.memory_space<hbm>>) target(%arg7 : memref<125x80xi32, #tpu.memory_space<vmem>>) target_semaphore(%run_scoped3A : memref<!tpu.dma_semaphore, #tpu.memory_space<semaphore_mem>>)
      %dma_wait3A = arith.constant 0 : i32
      %dma_wait3A_26 = tpu.memref_slice %arg2[%mul3A_6, %dma_wait3A] : memref<4000x80xi32, #tpu.memory_space<hbm>> -> memref<125x80xi32, #tpu.memory_space<hbm>>
      %dma_wait3A_27 = arith.constant 0 : i32
      %dma_wait3A_28 = tpu.memref_slice %arg2[%mul3A_6, %dma_wait3A_27] : memref<4000x80xi32, #tpu.memory_space<hbm>> -> memref<125x80xi32, #tpu.memory_space<hbm>>
      tpu.wait_dma2 semaphore(%run_scoped3A : memref<!tpu.dma_semaphore, #tpu.memory_space<semaphore_mem>>) src(%dma_wait3A_28 : memref<125x80xi32, #tpu.memory_space<hbm>>) dst(%arg7 : memref<125x80xi32, #tpu.memory_space<vmem>>)
      tpu.yield
    }) : () -> ()
    %mul3A_7 = arith.constant 125 : i32
    %mul3A_8 = arith.muli %add3A, %mul3A_7 : i32
    "tpu.region"() ({
      %run_scoped3A = tpu.sem_alloc : memref<!tpu.dma_semaphore, #tpu.memory_space<semaphore_mem>>
      %dma_start3A = arith.constant 0 : i32
      %dma_start3A_23 = tpu.memref_slice %arg3[%mul3A_8, %dma_start3A] : memref<4000x80xi32, #tpu.memory_space<hbm>> -> memref<125x80xi32, #tpu.memory_space<hbm>>
      %dma_start3A_24 = arith.constant 0 : i32
      %dma_start3A_25 = tpu.memref_slice %arg3[%mul3A_8, %dma_start3A_24] : memref<4000x80xi32, #tpu.memory_space<hbm>> -> memref<125x80xi32, #tpu.memory_space<hbm>>
      tpu.enqueue_dma source(%dma_start3A_25 : memref<125x80xi32, #tpu.memory_space<hbm>>) target(%arg8 : memref<125x80xi32, #tpu.memory_space<vmem>>) target_semaphore(%run_scoped3A : memref<!tpu.dma_semaphore, #tpu.memory_space<semaphore_mem>>)
      %dma_wait3A = arith.constant 0 : i32
      %dma_wait3A_26 = tpu.memref_slice %arg3[%mul3A_8, %dma_wait3A] : memref<4000x80xi32, #tpu.memory_space<hbm>> -> memref<125x80xi32, #tpu.memory_space<hbm>>
      %dma_wait3A_27 = arith.constant 0 : i32
      %dma_wait3A_28 = tpu.memref_slice %arg3[%mul3A_8, %dma_wait3A_27] : memref<4000x80xi32, #tpu.memory_space<hbm>> -> memref<125x80xi32, #tpu.memory_space<hbm>>
      tpu.wait_dma2 semaphore(%run_scoped3A : memref<!tpu.dma_semaphore, #tpu.memory_space<semaphore_mem>>) src(%dma_wait3A_28 : memref<125x80xi32, #tpu.memory_space<hbm>>) dst(%arg8 : memref<125x80xi32, #tpu.memory_space<vmem>>)
      tpu.yield
    }) : () -> ()
    %barrier3A = arith.constant 0 : index
    tpu.barrier barrier_id(%barrier3A)
    %scan3A = arith.constant 0 : i32
    %scan3A_9 = arith.constant 0 : i32
    %scan3A_10 = arith.constant 125 : i32
    %scan3A_11 = arith.addi %scan3A_9, %scan3A_10 : i32
    %scan3A_12 = arith.constant 1 : i32
    scf.for %scan3A_23 = %scan3A_9 to %scan3A_11 step %scan3A_12  : i32 {
      %dma_start3A = arith.constant 0 : i32
      %dma_start3A_24 = tpu.memref_slice %arg7[%scan3A_23, %dma_start3A] : memref<125x80xi32, #tpu.memory_space<vmem>> -> memref<1x80xi32, #tpu.memory_space<vmem>>
      %dma_start3A_25 = tpu.memref_squeeze %dma_start3A_24 : memref<1x80xi32, #tpu.memory_space<vmem>> -> memref<80xi32, #tpu.memory_space<vmem>>
      %dma_start3A_26 = arith.constant 0 : i32
      %dma_start3A_27 = arith.constant 0 : i32
      %dma_start3A_28 = tpu.memref_slice %arg4[%dma_start3A_26, %dma_start3A_27] : memref<10000x128xf32, #tpu.memory_space<hbm>> -> memref<10000x128xf32, #tpu.memory_space<hbm>>
      tpu.enqueue_indirect_dma source(%dma_start3A_28 : memref<10000x128xf32, #tpu.memory_space<hbm>>) target(%arg9 : memref<80x128xf32, #tpu.memory_space<vmem>>) offsets(%dma_start3A_25 : memref<80xi32, #tpu.memory_space<vmem>>) semaphore(%arg11 : memref<!tpu.dma_semaphore, #tpu.memory_space<semaphore_mem>>)
      %dma_wait3A = arith.constant 0 : i32
      %dma_wait3A_29 = tpu.memref_slice %arg7[%scan3A_23, %dma_wait3A] : memref<125x80xi32, #tpu.memory_space<vmem>> -> memref<1x80xi32, #tpu.memory_space<vmem>>
      %dma_wait3A_30 = tpu.memref_squeeze %dma_wait3A_29 : memref<1x80xi32, #tpu.memory_space<vmem>> -> memref<80xi32, #tpu.memory_space<vmem>>
      %dma_wait3A_31 = arith.constant 0 : i32
      %dma_wait3A_32 = arith.constant 0 : i32
      %dma_wait3A_33 = tpu.memref_slice %arg4[%dma_wait3A_31, %dma_wait3A_32] : memref<10000x128xf32, #tpu.memory_space<hbm>> -> memref<10000x128xf32, #tpu.memory_space<hbm>>
      tpu.wait_indirect_dma semaphore(%arg11 : memref<!tpu.dma_semaphore, #tpu.memory_space<semaphore_mem>>) src(%dma_wait3A_33 : memref<10000x128xf32, #tpu.memory_space<hbm>>) dst(%arg9 : memref<80x128xf32, #tpu.memory_space<vmem>>)
      "tpu.region"() ({
        %run_scoped3A = tpu.sem_alloc : memref<!tpu.dma_semaphore, #tpu.memory_space<semaphore_mem>>
        %dma_start3A_34 = arith.constant 0 : i32
        %dma_start3A_35 = tpu.memref_slice %arg8[%scan3A_23, %dma_start3A_34] : memref<125x80xi32, #tpu.memory_space<vmem>> -> memref<1x80xi32, #tpu.memory_space<vmem>>
        %dma_start3A_36 = tpu.memref_squeeze %dma_start3A_35 : memref<1x80xi32, #tpu.memory_space<vmem>> -> memref<80xi32, #tpu.memory_space<vmem>>
        %dma_start3A_37 = arith.constant 0 : i32
        %dma_start3A_38 = arith.constant 0 : i32
        %dma_start3A_39 = tpu.memref_slice %arg10[%dma_start3A_37, %dma_start3A_38] : memref<10008x128xf32, #tpu.memory_space<vmem_shared>> -> memref<10008x128xf32, #tpu.memory_space<vmem_shared>>
        tpu.enqueue_indirect_dma source(%arg9 : memref<80x128xf32, #tpu.memory_space<vmem>>) target(%dma_start3A_39 : memref<10008x128xf32, #tpu.memory_space<vmem_shared>>) offsets(%dma_start3A_36 : memref<80xi32, #tpu.memory_space<vmem>>) semaphore(%run_scoped3A : memref<!tpu.dma_semaphore, #tpu.memory_space<semaphore_mem>>) {add = true}
        %dma_wait3A_40 = arith.constant 0 : i32
        %dma_wait3A_41 = tpu.memref_slice %arg8[%scan3A_23, %dma_wait3A_40] : memref<125x80xi32, #tpu.memory_space<vmem>> -> memref<1x80xi32, #tpu.memory_space<vmem>>
        %dma_wait3A_42 = tpu.memref_squeeze %dma_wait3A_41 : memref<1x80xi32, #tpu.memory_space<vmem>> -> memref<80xi32, #tpu.memory_space<vmem>>
        %dma_wait3A_43 = arith.constant 0 : i32
        %dma_wait3A_44 = arith.constant 0 : i32
        %dma_wait3A_45 = tpu.memref_slice %arg10[%dma_wait3A_43, %dma_wait3A_44] : memref<10008x128xf32, #tpu.memory_space<vmem_shared>> -> memref<10008x128xf32, #tpu.memory_space<vmem_shared>>
        tpu.wait_indirect_dma semaphore(%run_scoped3A : memref<!tpu.dma_semaphore, #tpu.memory_space<semaphore_mem>>) src(%arg9 : memref<80x128xf32, #tpu.memory_space<vmem>>) dst(%dma_wait3A_45 : memref<10008x128xf32, #tpu.memory_space<vmem_shared>>)
        tpu.yield
      }) : () -> ()
    }
    %scan3A_13 = arith.constant 125 : i32
    %barrier3A_14 = arith.constant 0 : index
    tpu.barrier barrier_id(%barrier3A_14)
    %mul3A_15 = arith.constant 10000 : i32
    %mul3A_16 = arith.muli %arg0, %mul3A_15 : i32
    %add3A_17 = arith.addi %mul3A_16, %mul3A_2 : i32
    "tpu.region"() ({
      %run_scoped3A = tpu.sem_alloc : memref<!tpu.dma_semaphore, #tpu.memory_space<semaphore_mem>>
      %dma_start3A = arith.constant 0 : i32
      %dma_start3A_23 = tpu.memref_slice %arg6[%add3A_17, %dma_start3A] : memref<20000x128xf32, #tpu.memory_space<hbm>> -> memref<624x128xf32, #tpu.memory_space<hbm>>
      %dma_start3A_24 = arith.constant 0 : i32
      %dma_start3A_25 = tpu.memref_slice %arg10[%mul3A_2, %dma_start3A_24] : memref<10008x128xf32, #tpu.memory_space<vmem_shared>> -> memref<624x128xf32, #tpu.memory_space<vmem_shared>>
      tpu.enqueue_dma source(%dma_start3A_25 : memref<624x128xf32, #tpu.memory_space<vmem_shared>>) target(%dma_start3A_23 : memref<624x128xf32, #tpu.memory_space<hbm>>) target_semaphore(%run_scoped3A : memref<!tpu.dma_semaphore, #tpu.memory_space<semaphore_mem>>)
      %dma_wait3A = arith.constant 0 : i32
      %dma_wait3A_26 = tpu.memref_slice %arg6[%add3A_17, %dma_wait3A] : memref<20000x128xf32, #tpu.memory_space<hbm>> -> memref<624x128xf32, #tpu.memory_space<hbm>>
      %dma_wait3A_27 = arith.constant 0 : i32
      %dma_wait3A_28 = tpu.memref_slice %arg10[%mul3A_2, %dma_wait3A_27] : memref<10008x128xf32, #tpu.memory_space<vmem_shared>> -> memref<624x128xf32, #tpu.memory_space<vmem_shared>>
      tpu.wait_dma2 semaphore(%run_scoped3A : memref<!tpu.dma_semaphore, #tpu.memory_space<semaphore_mem>>) src(%dma_wait3A_28 : memref<624x128xf32, #tpu.memory_space<vmem_shared>>) dst(%dma_wait3A_26 : memref<624x128xf32, #tpu.memory_space<hbm>>)
      tpu.yield
    }) : () -> ()
    %eq3A_18 = arith.constant 0 : i32
    %eq3A_19 = arith.cmpi eq, %arg1, %eq3A_18 : i32
    %convert_element_type3A_20 = arith.extui %eq3A_19 : i1 to i32
    %cond3A_21 = arith.constant 0 : i32
    %cond3A_22 = arith.cmpi ne, %convert_element_type3A_20, %cond3A_21 : i32
    scf.if %cond3A_22 {
      %mul3A_23 = arith.constant 10000 : i32
      %mul3A_24 = arith.muli %arg0, %mul3A_23 : i32
      %add3A_25 = arith.constant 9984 : i32
      %add3A_26 = arith.addi %mul3A_24, %add3A_25 : i32
      "tpu.region"() ({
        %run_scoped3A = tpu.sem_alloc : memref<!tpu.dma_semaphore, #tpu.memory_space<semaphore_mem>>
        %dma_start3A = arith.constant 0 : i32
        %dma_start3A_27 = tpu.memref_slice %arg6[%add3A_26, %dma_start3A] : memref<20000x128xf32, #tpu.memory_space<hbm>> -> memref<16x128xf32, #tpu.memory_space<hbm>>
        %dma_start3A_28 = arith.constant 9984 : i32
        %dma_start3A_29 = arith.constant 0 : i32
        %dma_start3A_30 = tpu.memref_slice %arg10[%dma_start3A_28, %dma_start3A_29] : memref<10008x128xf32, #tpu.memory_space<vmem_shared>> -> memref<16x128xf32, #tpu.memory_space<vmem_shared>>
        tpu.enqueue_dma source(%dma_start3A_30 : memref<16x128xf32, #tpu.memory_space<vmem_shared>>) target(%dma_start3A_27 : memref<16x128xf32, #tpu.memory_space<hbm>>) target_semaphore(%run_scoped3A : memref<!tpu.dma_semaphore, #tpu.memory_space<semaphore_mem>>)
        %dma_wait3A = arith.constant 0 : i32
        %dma_wait3A_31 = tpu.memref_slice %arg6[%add3A_26, %dma_wait3A] : memref<20000x128xf32, #tpu.memory_space<hbm>> -> memref<16x128xf32, #tpu.memory_space<hbm>>
        %dma_wait3A_32 = arith.constant 9984 : i32
        %dma_wait3A_33 = arith.constant 0 : i32
        %dma_wait3A_34 = tpu.memref_slice %arg10[%dma_wait3A_32, %dma_wait3A_33] : memref<10008x128xf32, #tpu.memory_space<vmem_shared>> -> memref<16x128xf32, #tpu.memory_space<vmem_shared>>
        tpu.wait_dma2 semaphore(%run_scoped3A : memref<!tpu.dma_semaphore, #tpu.memory_space<semaphore_mem>>) src(%dma_wait3A_34 : memref<16x128xf32, #tpu.memory_space<vmem_shared>>) dst(%dma_wait3A_31 : memref<16x128xf32, #tpu.memory_space<hbm>>)
        tpu.yield
      }) : () -> ()
    } else {
    }
    return
  }
}

#map = affine_map<(d0, d1) -> (0, 0)>
module attributes {stable_mosaic.version = 14 : i64} {
  func.func @k(%arg0: i32, %arg1: i32, %arg2: memref<2560x128xi32, #tpu.memory_space<hbm>>, %arg3: memref<2560x128xi32, #tpu.memory_space<hbm>>, %arg4: memref<10000x16xf32, #tpu.memory_space<hbm>>, %arg5: memref<624x16xf32, #tpu.memory_space<hbm>>, %arg6: memref<20000x16xf32, #tpu.memory_space<hbm>>, %arg7: memref<128xi32, #tpu.memory_space<vmem>>, %arg8: memref<128xi32, #tpu.memory_space<vmem>>, %arg9: memref<128xi32, #tpu.memory_space<vmem>>, %arg10: memref<128xi32, #tpu.memory_space<vmem>>, %arg11: memref<128xi32, #tpu.memory_space<vmem>>, %arg12: memref<128xi32, #tpu.memory_space<vmem>>, %arg13: memref<128xi32, #tpu.memory_space<vmem>>, %arg14: memref<128xi32, #tpu.memory_space<vmem>>, %arg15: memref<128x16xf32, #tpu.memory_space<vmem>>, %arg16: memref<128x16xf32, #tpu.memory_space<vmem>>, %arg17: memref<10008x16xf32, #tpu.memory_space<vmem_shared>>, %arg18: memref<10000x16xf32, #tpu.memory_space<vmem_shared>>, %arg19: memref<!tpu.dma_semaphore, #tpu.memory_space<semaphore_mem>>, %arg20: memref<!tpu.dma_semaphore, #tpu.memory_space<semaphore_mem>>, %arg21: memref<!tpu.dma_semaphore, #tpu.memory_space<semaphore_mem>>, %arg22: memref<!tpu.dma_semaphore, #tpu.memory_space<semaphore_mem>>, %arg23: memref<!tpu.dma_semaphore, #tpu.memory_space<semaphore_mem>>, %arg24: memref<!tpu.dma_semaphore, #tpu.memory_space<semaphore_mem>>, %arg25: memref<!tpu.dma_semaphore, #tpu.memory_space<semaphore_mem>>, %arg26: memref<!tpu.dma_semaphore, #tpu.memory_space<semaphore_mem>>) attributes {dimension_semantics = [#tpu.dimension_semantics<core_parallel>, #tpu.dimension_semantics<subcore_parallel>], iteration_bounds = array<i64: 2, 16>, scalar_prefetch = 0 : i64, scratch_operands = 20 : i64, tpu.core_type = #tpu.core_type<sc_vector_subcore>, window_params = [{transform_indices = #map}, {transform_indices = #map}, {transform_indices = #map}, {transform_indices = #map}, {transform_indices = #map}]} {
    %mul3A = arith.constant 16 : i32
    %mul3A_0 = arith.muli %arg0, %mul3A : i32
    %add3A = arith.addi %mul3A_0, %arg1 : i32
    %mul3A_1 = arith.constant 624 : i32
    %mul3A_2 = arith.muli %arg1, %mul3A_1 : i32
    "tpu.region"() ({
      %run_scoped3A = tpu.sem_alloc : memref<!tpu.dma_semaphore, #tpu.memory_space<semaphore_mem>>
      %dma_start3A_104 = arith.constant 0 : i32
      %dma_start3A_105 = tpu.memref_slice %arg17[%mul3A_2, %dma_start3A_104] : memref<10008x16xf32, #tpu.memory_space<vmem_shared>> -> memref<624x16xf32, #tpu.memory_space<vmem_shared>>
      tpu.enqueue_dma source(%arg5 : memref<624x16xf32, #tpu.memory_space<hbm>>) target(%dma_start3A_105 : memref<624x16xf32, #tpu.memory_space<vmem_shared>>) target_semaphore(%run_scoped3A : memref<!tpu.dma_semaphore, #tpu.memory_space<semaphore_mem>>)
      %dma_wait3A_106 = arith.constant 0 : i32
      %dma_wait3A_107 = tpu.memref_slice %arg17[%mul3A_2, %dma_wait3A_106] : memref<10008x16xf32, #tpu.memory_space<vmem_shared>> -> memref<624x16xf32, #tpu.memory_space<vmem_shared>>
      tpu.wait_dma2 semaphore(%run_scoped3A : memref<!tpu.dma_semaphore, #tpu.memory_space<semaphore_mem>>) src(%arg5 : memref<624x16xf32, #tpu.memory_space<hbm>>) dst(%dma_wait3A_107 : memref<624x16xf32, #tpu.memory_space<vmem_shared>>)
      tpu.yield
    }) : () -> ()
    "tpu.region"() ({
      %run_scoped3A = tpu.sem_alloc : memref<!tpu.dma_semaphore, #tpu.memory_space<semaphore_mem>>
      %dma_start3A_104 = arith.constant 0 : i32
      %dma_start3A_105 = tpu.memref_slice %arg18[%mul3A_2, %dma_start3A_104] : memref<10000x16xf32, #tpu.memory_space<vmem_shared>> -> memref<624x16xf32, #tpu.memory_space<vmem_shared>>
      %dma_start3A_106 = arith.constant 0 : i32
      %dma_start3A_107 = tpu.memref_slice %arg4[%mul3A_2, %dma_start3A_106] : memref<10000x16xf32, #tpu.memory_space<hbm>> -> memref<624x16xf32, #tpu.memory_space<hbm>>
      tpu.enqueue_dma source(%dma_start3A_107 : memref<624x16xf32, #tpu.memory_space<hbm>>) target(%dma_start3A_105 : memref<624x16xf32, #tpu.memory_space<vmem_shared>>) target_semaphore(%run_scoped3A : memref<!tpu.dma_semaphore, #tpu.memory_space<semaphore_mem>>)
      %dma_wait3A_108 = arith.constant 0 : i32
      %dma_wait3A_109 = tpu.memref_slice %arg18[%mul3A_2, %dma_wait3A_108] : memref<10000x16xf32, #tpu.memory_space<vmem_shared>> -> memref<624x16xf32, #tpu.memory_space<vmem_shared>>
      %dma_wait3A_110 = arith.constant 0 : i32
      %dma_wait3A_111 = tpu.memref_slice %arg4[%mul3A_2, %dma_wait3A_110] : memref<10000x16xf32, #tpu.memory_space<hbm>> -> memref<624x16xf32, #tpu.memory_space<hbm>>
      tpu.wait_dma2 semaphore(%run_scoped3A : memref<!tpu.dma_semaphore, #tpu.memory_space<semaphore_mem>>) src(%dma_wait3A_111 : memref<624x16xf32, #tpu.memory_space<hbm>>) dst(%dma_wait3A_109 : memref<624x16xf32, #tpu.memory_space<vmem_shared>>)
      tpu.yield
    }) : () -> ()
    %eq3A = arith.constant 0 : i32
    %eq3A_3 = arith.cmpi eq, %arg1, %eq3A : i32
    %convert_element_type3A = arith.extui %eq3A_3 : i1 to i32
    %cond3A = arith.constant 0 : i32
    %cond3A_4 = arith.cmpi ne, %convert_element_type3A, %cond3A : i32
    scf.if %cond3A_4 {
      "tpu.region"() ({
        %run_scoped3A = tpu.sem_alloc : memref<!tpu.dma_semaphore, #tpu.memory_space<semaphore_mem>>
        %dma_start3A_104 = arith.constant 9984 : i32
        %dma_start3A_105 = arith.constant 0 : i32
        %dma_start3A_106 = tpu.memref_slice %arg17[%dma_start3A_104, %dma_start3A_105] : memref<10008x16xf32, #tpu.memory_space<vmem_shared>> -> memref<24x16xf32, #tpu.memory_space<vmem_shared>>
        %dma_start3A_107 = arith.constant 0 : i32
        %dma_start3A_108 = arith.constant 0 : i32
        %dma_start3A_109 = tpu.memref_slice %arg5[%dma_start3A_107, %dma_start3A_108] : memref<624x16xf32, #tpu.memory_space<hbm>> -> memref<24x16xf32, #tpu.memory_space<hbm>>
        tpu.enqueue_dma source(%dma_start3A_109 : memref<24x16xf32, #tpu.memory_space<hbm>>) target(%dma_start3A_106 : memref<24x16xf32, #tpu.memory_space<vmem_shared>>) target_semaphore(%run_scoped3A : memref<!tpu.dma_semaphore, #tpu.memory_space<semaphore_mem>>)
        %dma_wait3A_110 = arith.constant 9984 : i32
        %dma_wait3A_111 = arith.constant 0 : i32
        %dma_wait3A_112 = tpu.memref_slice %arg17[%dma_wait3A_110, %dma_wait3A_111] : memref<10008x16xf32, #tpu.memory_space<vmem_shared>> -> memref<24x16xf32, #tpu.memory_space<vmem_shared>>
        %dma_wait3A_113 = arith.constant 0 : i32
        %dma_wait3A_114 = arith.constant 0 : i32
        %dma_wait3A_115 = tpu.memref_slice %arg5[%dma_wait3A_113, %dma_wait3A_114] : memref<624x16xf32, #tpu.memory_space<hbm>> -> memref<24x16xf32, #tpu.memory_space<hbm>>
        tpu.wait_dma2 semaphore(%run_scoped3A : memref<!tpu.dma_semaphore, #tpu.memory_space<semaphore_mem>>) src(%dma_wait3A_115 : memref<24x16xf32, #tpu.memory_space<hbm>>) dst(%dma_wait3A_112 : memref<24x16xf32, #tpu.memory_space<vmem_shared>>)
        tpu.yield
      }) : () -> ()
      "tpu.region"() ({
        %run_scoped3A = tpu.sem_alloc : memref<!tpu.dma_semaphore, #tpu.memory_space<semaphore_mem>>
        %dma_start3A_104 = arith.constant 9984 : i32
        %dma_start3A_105 = arith.constant 0 : i32
        %dma_start3A_106 = tpu.memref_slice %arg18[%dma_start3A_104, %dma_start3A_105] : memref<10000x16xf32, #tpu.memory_space<vmem_shared>> -> memref<16x16xf32, #tpu.memory_space<vmem_shared>>
        %dma_start3A_107 = arith.constant 9984 : i32
        %dma_start3A_108 = arith.constant 0 : i32
        %dma_start3A_109 = tpu.memref_slice %arg4[%dma_start3A_107, %dma_start3A_108] : memref<10000x16xf32, #tpu.memory_space<hbm>> -> memref<16x16xf32, #tpu.memory_space<hbm>>
        tpu.enqueue_dma source(%dma_start3A_109 : memref<16x16xf32, #tpu.memory_space<hbm>>) target(%dma_start3A_106 : memref<16x16xf32, #tpu.memory_space<vmem_shared>>) target_semaphore(%run_scoped3A : memref<!tpu.dma_semaphore, #tpu.memory_space<semaphore_mem>>)
        %dma_wait3A_110 = arith.constant 9984 : i32
        %dma_wait3A_111 = arith.constant 0 : i32
        %dma_wait3A_112 = tpu.memref_slice %arg18[%dma_wait3A_110, %dma_wait3A_111] : memref<10000x16xf32, #tpu.memory_space<vmem_shared>> -> memref<16x16xf32, #tpu.memory_space<vmem_shared>>
        %dma_wait3A_113 = arith.constant 9984 : i32
        %dma_wait3A_114 = arith.constant 0 : i32
        %dma_wait3A_115 = tpu.memref_slice %arg4[%dma_wait3A_113, %dma_wait3A_114] : memref<10000x16xf32, #tpu.memory_space<hbm>> -> memref<16x16xf32, #tpu.memory_space<hbm>>
        tpu.wait_dma2 semaphore(%run_scoped3A : memref<!tpu.dma_semaphore, #tpu.memory_space<semaphore_mem>>) src(%dma_wait3A_115 : memref<16x16xf32, #tpu.memory_space<hbm>>) dst(%dma_wait3A_112 : memref<16x16xf32, #tpu.memory_space<vmem_shared>>)
        tpu.yield
      }) : () -> ()
    } else {
    }
    %barrier3A = arith.constant 0 : index
    tpu.barrier barrier_id(%barrier3A)
    %mul3A_5 = arith.constant 80 : i32
    %mul3A_6 = arith.muli %add3A, %mul3A_5 : i32
    %add3A_7 = arith.constant 0 : i32
    %add3A_8 = arith.addi %mul3A_6, %add3A_7 : i32
    %dma_start3A = arith.constant 0 : i32
    %dma_start3A_9 = tpu.memref_slice %arg2[%add3A_8, %dma_start3A] : memref<2560x128xi32, #tpu.memory_space<hbm>> -> memref<1x128xi32, #tpu.memory_space<hbm>>
    %dma_start3A_10 = tpu.memref_squeeze %dma_start3A_9 : memref<1x128xi32, #tpu.memory_space<hbm>> -> memref<128xi32, #tpu.memory_space<hbm>>
    %dma_start3A_11 = arith.constant 0 : i32
    %dma_start3A_12 = tpu.memref_slice %arg2[%add3A_8, %dma_start3A_11] : memref<2560x128xi32, #tpu.memory_space<hbm>> -> memref<1x128xi32, #tpu.memory_space<hbm>>
    %dma_start3A_13 = tpu.memref_squeeze %dma_start3A_12 : memref<1x128xi32, #tpu.memory_space<hbm>> -> memref<128xi32, #tpu.memory_space<hbm>>
    tpu.enqueue_dma source(%dma_start3A_13 : memref<128xi32, #tpu.memory_space<hbm>>) target(%arg7 : memref<128xi32, #tpu.memory_space<vmem>>) target_semaphore(%arg23 : memref<!tpu.dma_semaphore, #tpu.memory_space<semaphore_mem>>)
    %add3A_14 = arith.constant 0 : i32
    %add3A_15 = arith.addi %mul3A_6, %add3A_14 : i32
    %dma_start3A_16 = arith.constant 0 : i32
    %dma_start3A_17 = tpu.memref_slice %arg3[%add3A_15, %dma_start3A_16] : memref<2560x128xi32, #tpu.memory_space<hbm>> -> memref<1x128xi32, #tpu.memory_space<hbm>>
    %dma_start3A_18 = tpu.memref_squeeze %dma_start3A_17 : memref<1x128xi32, #tpu.memory_space<hbm>> -> memref<128xi32, #tpu.memory_space<hbm>>
    %dma_start3A_19 = arith.constant 0 : i32
    %dma_start3A_20 = tpu.memref_slice %arg3[%add3A_15, %dma_start3A_19] : memref<2560x128xi32, #tpu.memory_space<hbm>> -> memref<1x128xi32, #tpu.memory_space<hbm>>
    %dma_start3A_21 = tpu.memref_squeeze %dma_start3A_20 : memref<1x128xi32, #tpu.memory_space<hbm>> -> memref<128xi32, #tpu.memory_space<hbm>>
    tpu.enqueue_dma source(%dma_start3A_21 : memref<128xi32, #tpu.memory_space<hbm>>) target(%arg11 : memref<128xi32, #tpu.memory_space<vmem>>) target_semaphore(%arg23 : memref<!tpu.dma_semaphore, #tpu.memory_space<semaphore_mem>>)
    %add3A_22 = arith.constant 1 : i32
    %add3A_23 = arith.addi %mul3A_6, %add3A_22 : i32
    %dma_start3A_24 = arith.constant 0 : i32
    %dma_start3A_25 = tpu.memref_slice %arg2[%add3A_23, %dma_start3A_24] : memref<2560x128xi32, #tpu.memory_space<hbm>> -> memref<1x128xi32, #tpu.memory_space<hbm>>
    %dma_start3A_26 = tpu.memref_squeeze %dma_start3A_25 : memref<1x128xi32, #tpu.memory_space<hbm>> -> memref<128xi32, #tpu.memory_space<hbm>>
    %dma_start3A_27 = arith.constant 0 : i32
    %dma_start3A_28 = tpu.memref_slice %arg2[%add3A_23, %dma_start3A_27] : memref<2560x128xi32, #tpu.memory_space<hbm>> -> memref<1x128xi32, #tpu.memory_space<hbm>>
    %dma_start3A_29 = tpu.memref_squeeze %dma_start3A_28 : memref<1x128xi32, #tpu.memory_space<hbm>> -> memref<128xi32, #tpu.memory_space<hbm>>
    tpu.enqueue_dma source(%dma_start3A_29 : memref<128xi32, #tpu.memory_space<hbm>>) target(%arg8 : memref<128xi32, #tpu.memory_space<vmem>>) target_semaphore(%arg24 : memref<!tpu.dma_semaphore, #tpu.memory_space<semaphore_mem>>)
    %add3A_30 = arith.constant 1 : i32
    %add3A_31 = arith.addi %mul3A_6, %add3A_30 : i32
    %dma_start3A_32 = arith.constant 0 : i32
    %dma_start3A_33 = tpu.memref_slice %arg3[%add3A_31, %dma_start3A_32] : memref<2560x128xi32, #tpu.memory_space<hbm>> -> memref<1x128xi32, #tpu.memory_space<hbm>>
    %dma_start3A_34 = tpu.memref_squeeze %dma_start3A_33 : memref<1x128xi32, #tpu.memory_space<hbm>> -> memref<128xi32, #tpu.memory_space<hbm>>
    %dma_start3A_35 = arith.constant 0 : i32
    %dma_start3A_36 = tpu.memref_slice %arg3[%add3A_31, %dma_start3A_35] : memref<2560x128xi32, #tpu.memory_space<hbm>> -> memref<1x128xi32, #tpu.memory_space<hbm>>
    %dma_start3A_37 = tpu.memref_squeeze %dma_start3A_36 : memref<1x128xi32, #tpu.memory_space<hbm>> -> memref<128xi32, #tpu.memory_space<hbm>>
    tpu.enqueue_dma source(%dma_start3A_37 : memref<128xi32, #tpu.memory_space<hbm>>) target(%arg12 : memref<128xi32, #tpu.memory_space<vmem>>) target_semaphore(%arg24 : memref<!tpu.dma_semaphore, #tpu.memory_space<semaphore_mem>>)
    %add3A_38 = arith.constant 2 : i32
    %add3A_39 = arith.addi %mul3A_6, %add3A_38 : i32
    %dma_start3A_40 = arith.constant 0 : i32
    %dma_start3A_41 = tpu.memref_slice %arg2[%add3A_39, %dma_start3A_40] : memref<2560x128xi32, #tpu.memory_space<hbm>> -> memref<1x128xi32, #tpu.memory_space<hbm>>
    %dma_start3A_42 = tpu.memref_squeeze %dma_start3A_41 : memref<1x128xi32, #tpu.memory_space<hbm>> -> memref<128xi32, #tpu.memory_space<hbm>>
    %dma_start3A_43 = arith.constant 0 : i32
    %dma_start3A_44 = tpu.memref_slice %arg2[%add3A_39, %dma_start3A_43] : memref<2560x128xi32, #tpu.memory_space<hbm>> -> memref<1x128xi32, #tpu.memory_space<hbm>>
    %dma_start3A_45 = tpu.memref_squeeze %dma_start3A_44 : memref<1x128xi32, #tpu.memory_space<hbm>> -> memref<128xi32, #tpu.memory_space<hbm>>
    tpu.enqueue_dma source(%dma_start3A_45 : memref<128xi32, #tpu.memory_space<hbm>>) target(%arg9 : memref<128xi32, #tpu.memory_space<vmem>>) target_semaphore(%arg25 : memref<!tpu.dma_semaphore, #tpu.memory_space<semaphore_mem>>)
    %add3A_46 = arith.constant 2 : i32
    %add3A_47 = arith.addi %mul3A_6, %add3A_46 : i32
    %dma_start3A_48 = arith.constant 0 : i32
    %dma_start3A_49 = tpu.memref_slice %arg3[%add3A_47, %dma_start3A_48] : memref<2560x128xi32, #tpu.memory_space<hbm>> -> memref<1x128xi32, #tpu.memory_space<hbm>>
    %dma_start3A_50 = tpu.memref_squeeze %dma_start3A_49 : memref<1x128xi32, #tpu.memory_space<hbm>> -> memref<128xi32, #tpu.memory_space<hbm>>
    %dma_start3A_51 = arith.constant 0 : i32
    %dma_start3A_52 = tpu.memref_slice %arg3[%add3A_47, %dma_start3A_51] : memref<2560x128xi32, #tpu.memory_space<hbm>> -> memref<1x128xi32, #tpu.memory_space<hbm>>
    %dma_start3A_53 = tpu.memref_squeeze %dma_start3A_52 : memref<1x128xi32, #tpu.memory_space<hbm>> -> memref<128xi32, #tpu.memory_space<hbm>>
    tpu.enqueue_dma source(%dma_start3A_53 : memref<128xi32, #tpu.memory_space<hbm>>) target(%arg13 : memref<128xi32, #tpu.memory_space<vmem>>) target_semaphore(%arg25 : memref<!tpu.dma_semaphore, #tpu.memory_space<semaphore_mem>>)
    %add3A_54 = arith.constant 3 : i32
    %add3A_55 = arith.addi %mul3A_6, %add3A_54 : i32
    %dma_start3A_56 = arith.constant 0 : i32
    %dma_start3A_57 = tpu.memref_slice %arg2[%add3A_55, %dma_start3A_56] : memref<2560x128xi32, #tpu.memory_space<hbm>> -> memref<1x128xi32, #tpu.memory_space<hbm>>
    %dma_start3A_58 = tpu.memref_squeeze %dma_start3A_57 : memref<1x128xi32, #tpu.memory_space<hbm>> -> memref<128xi32, #tpu.memory_space<hbm>>
    %dma_start3A_59 = arith.constant 0 : i32
    %dma_start3A_60 = tpu.memref_slice %arg2[%add3A_55, %dma_start3A_59] : memref<2560x128xi32, #tpu.memory_space<hbm>> -> memref<1x128xi32, #tpu.memory_space<hbm>>
    %dma_start3A_61 = tpu.memref_squeeze %dma_start3A_60 : memref<1x128xi32, #tpu.memory_space<hbm>> -> memref<128xi32, #tpu.memory_space<hbm>>
    tpu.enqueue_dma source(%dma_start3A_61 : memref<128xi32, #tpu.memory_space<hbm>>) target(%arg10 : memref<128xi32, #tpu.memory_space<vmem>>) target_semaphore(%arg26 : memref<!tpu.dma_semaphore, #tpu.memory_space<semaphore_mem>>)
    %add3A_62 = arith.constant 3 : i32
    %add3A_63 = arith.addi %mul3A_6, %add3A_62 : i32
    %dma_start3A_64 = arith.constant 0 : i32
    %dma_start3A_65 = tpu.memref_slice %arg3[%add3A_63, %dma_start3A_64] : memref<2560x128xi32, #tpu.memory_space<hbm>> -> memref<1x128xi32, #tpu.memory_space<hbm>>
    %dma_start3A_66 = tpu.memref_squeeze %dma_start3A_65 : memref<1x128xi32, #tpu.memory_space<hbm>> -> memref<128xi32, #tpu.memory_space<hbm>>
    %dma_start3A_67 = arith.constant 0 : i32
    %dma_start3A_68 = tpu.memref_slice %arg3[%add3A_63, %dma_start3A_67] : memref<2560x128xi32, #tpu.memory_space<hbm>> -> memref<1x128xi32, #tpu.memory_space<hbm>>
    %dma_start3A_69 = tpu.memref_squeeze %dma_start3A_68 : memref<1x128xi32, #tpu.memory_space<hbm>> -> memref<128xi32, #tpu.memory_space<hbm>>
    tpu.enqueue_dma source(%dma_start3A_69 : memref<128xi32, #tpu.memory_space<hbm>>) target(%arg14 : memref<128xi32, #tpu.memory_space<vmem>>) target_semaphore(%arg26 : memref<!tpu.dma_semaphore, #tpu.memory_space<semaphore_mem>>)
    %dma_wait3A = arith.constant 0 : i32
    %dma_wait3A_70 = tpu.memref_slice %arg2[%mul3A_6, %dma_wait3A] : memref<2560x128xi32, #tpu.memory_space<hbm>> -> memref<1x128xi32, #tpu.memory_space<hbm>>
    %dma_wait3A_71 = tpu.memref_squeeze %dma_wait3A_70 : memref<1x128xi32, #tpu.memory_space<hbm>> -> memref<128xi32, #tpu.memory_space<hbm>>
    %dma_wait3A_72 = arith.constant 0 : i32
    %dma_wait3A_73 = tpu.memref_slice %arg2[%mul3A_6, %dma_wait3A_72] : memref<2560x128xi32, #tpu.memory_space<hbm>> -> memref<1x128xi32, #tpu.memory_space<hbm>>
    %dma_wait3A_74 = tpu.memref_squeeze %dma_wait3A_73 : memref<1x128xi32, #tpu.memory_space<hbm>> -> memref<128xi32, #tpu.memory_space<hbm>>
    tpu.wait_dma2 semaphore(%arg23 : memref<!tpu.dma_semaphore, #tpu.memory_space<semaphore_mem>>) src(%dma_wait3A_74 : memref<128xi32, #tpu.memory_space<hbm>>) dst(%arg7 : memref<128xi32, #tpu.memory_space<vmem>>)
    %dma_wait3A_75 = arith.constant 0 : i32
    %dma_wait3A_76 = tpu.memref_slice %arg3[%mul3A_6, %dma_wait3A_75] : memref<2560x128xi32, #tpu.memory_space<hbm>> -> memref<1x128xi32, #tpu.memory_space<hbm>>
    %dma_wait3A_77 = tpu.memref_squeeze %dma_wait3A_76 : memref<1x128xi32, #tpu.memory_space<hbm>> -> memref<128xi32, #tpu.memory_space<hbm>>
    %dma_wait3A_78 = arith.constant 0 : i32
    %dma_wait3A_79 = tpu.memref_slice %arg3[%mul3A_6, %dma_wait3A_78] : memref<2560x128xi32, #tpu.memory_space<hbm>> -> memref<1x128xi32, #tpu.memory_space<hbm>>
    %dma_wait3A_80 = tpu.memref_squeeze %dma_wait3A_79 : memref<1x128xi32, #tpu.memory_space<hbm>> -> memref<128xi32, #tpu.memory_space<hbm>>
    tpu.wait_dma2 semaphore(%arg23 : memref<!tpu.dma_semaphore, #tpu.memory_space<semaphore_mem>>) src(%dma_wait3A_80 : memref<128xi32, #tpu.memory_space<hbm>>) dst(%arg11 : memref<128xi32, #tpu.memory_space<vmem>>)
    %dma_start3A_81 = arith.constant 0 : i32
    %dma_start3A_82 = arith.constant 0 : i32
    %dma_start3A_83 = tpu.memref_slice %arg18[%dma_start3A_81, %dma_start3A_82] : memref<10000x16xf32, #tpu.memory_space<vmem_shared>> -> memref<10000x16xf32, #tpu.memory_space<vmem_shared>>
    tpu.enqueue_indirect_dma source(%dma_start3A_83 : memref<10000x16xf32, #tpu.memory_space<vmem_shared>>) target(%arg15 : memref<128x16xf32, #tpu.memory_space<vmem>>) offsets(%arg7 : memref<128xi32, #tpu.memory_space<vmem>>) semaphore(%arg19 : memref<!tpu.dma_semaphore, #tpu.memory_space<semaphore_mem>>)
    %scan3A = arith.constant 0 : i32
    %scan3A_84 = arith.constant 0 : i32
    %scan3A_85 = arith.constant 20 : i32
    %scan3A_86 = arith.addi %scan3A_84, %scan3A_85 : i32
    %scan3A_87 = arith.constant 1 : i32
    scf.for %scan3A_104 = %scan3A_84 to %scan3A_86 step %scan3A_87  : i32 {
      %mul3A_105 = arith.constant 4 : i32
      %mul3A_106 = arith.muli %scan3A_104, %mul3A_105 : i32
      %add3A_107 = arith.constant 0 : i32
      %add3A_108 = arith.addi %mul3A_106, %add3A_107 : i32
      %dma_wait3A_109 = arith.constant 0 : i32
      %dma_wait3A_110 = arith.constant 0 : i32
      %dma_wait3A_111 = tpu.memref_slice %arg18[%dma_wait3A_109, %dma_wait3A_110] : memref<10000x16xf32, #tpu.memory_space<vmem_shared>> -> memref<10000x16xf32, #tpu.memory_space<vmem_shared>>
      tpu.wait_indirect_dma semaphore(%arg19 : memref<!tpu.dma_semaphore, #tpu.memory_space<semaphore_mem>>) src(%dma_wait3A_111 : memref<10000x16xf32, #tpu.memory_space<vmem_shared>>) dst(%arg15 : memref<128x16xf32, #tpu.memory_space<vmem>>)
      %dma_start3A_112 = arith.constant 0 : i32
      %dma_start3A_113 = arith.constant 0 : i32
      %dma_start3A_114 = tpu.memref_slice %arg17[%dma_start3A_112, %dma_start3A_113] : memref<10008x16xf32, #tpu.memory_space<vmem_shared>> -> memref<10008x16xf32, #tpu.memory_space<vmem_shared>>
      tpu.enqueue_indirect_dma source(%arg15 : memref<128x16xf32, #tpu.memory_space<vmem>>) target(%dma_start3A_114 : memref<10008x16xf32, #tpu.memory_space<vmem_shared>>) offsets(%arg11 : memref<128xi32, #tpu.memory_space<vmem>>) semaphore(%arg21 : memref<!tpu.dma_semaphore, #tpu.memory_space<semaphore_mem>>) {add = true}
      %add3A_115 = arith.constant 1 : i32
      %add3A_116 = arith.addi %add3A_108, %add3A_115 : i32
      %lt3A = arith.constant 80 : i32
      %lt3A_117 = arith.cmpi slt, %add3A_116, %lt3A : i32
      %convert_element_type3A_118 = arith.extui %lt3A_117 : i1 to i32
      %cond3A_119 = arith.constant 0 : i32
      %cond3A_120 = arith.cmpi ne, %convert_element_type3A_118, %cond3A_119 : i32
      scf.if %cond3A_120 {
        %ge3A = arith.constant 2 : i32
        %ge3A_172 = arith.cmpi sge, %add3A_116, %ge3A : i32
        %convert_element_type3A_173 = arith.extui %ge3A_172 : i1 to i32
        %cond3A_174 = arith.constant 0 : i32
        %cond3A_175 = arith.cmpi ne, %convert_element_type3A_173, %cond3A_174 : i32
        scf.if %cond3A_175 {
          %dma_wait3A_191 = arith.constant 0 : i32
          %dma_wait3A_192 = arith.constant 0 : i32
          %dma_wait3A_193 = tpu.memref_slice %arg17[%dma_wait3A_191, %dma_wait3A_192] : memref<10008x16xf32, #tpu.memory_space<vmem_shared>> -> memref<10008x16xf32, #tpu.memory_space<vmem_shared>>
          tpu.wait_indirect_dma semaphore(%arg22 : memref<!tpu.dma_semaphore, #tpu.memory_space<semaphore_mem>>) src(%arg16 : memref<128x16xf32, #tpu.memory_space<vmem>>) dst(%dma_wait3A_193 : memref<10008x16xf32, #tpu.memory_space<vmem_shared>>)
          %add3A_194 = arith.constant 4 : i32
          %add3A_195 = arith.addi %add3A_108, %add3A_194 : i32
          %sub3A = arith.constant 1 : i32
          %sub3A_196 = arith.subi %add3A_195, %sub3A : i32
          %lt3A_197 = arith.constant 80 : i32
          %lt3A_198 = arith.cmpi slt, %sub3A_196, %lt3A_197 : i32
          %convert_element_type3A_199 = arith.extui %lt3A_198 : i1 to i32
          %cond3A_200 = arith.constant 0 : i32
          %cond3A_201 = arith.cmpi ne, %convert_element_type3A_199, %cond3A_200 : i32
          scf.if %cond3A_201 {
            %add3A_202 = arith.addi %mul3A_6, %sub3A_196 : i32
            %dma_start3A_203 = arith.constant 0 : i32
            %dma_start3A_204 = tpu.memref_slice %arg2[%add3A_202, %dma_start3A_203] : memref<2560x128xi32, #tpu.memory_space<hbm>> -> memref<1x128xi32, #tpu.memory_space<hbm>>
            %dma_start3A_205 = tpu.memref_squeeze %dma_start3A_204 : memref<1x128xi32, #tpu.memory_space<hbm>> -> memref<128xi32, #tpu.memory_space<hbm>>
            %dma_start3A_206 = arith.constant 0 : i32
            %dma_start3A_207 = tpu.memref_slice %arg2[%add3A_202, %dma_start3A_206] : memref<2560x128xi32, #tpu.memory_space<hbm>> -> memref<1x128xi32, #tpu.memory_space<hbm>>
            %dma_start3A_208 = tpu.memref_squeeze %dma_start3A_207 : memref<1x128xi32, #tpu.memory_space<hbm>> -> memref<128xi32, #tpu.memory_space<hbm>>
            tpu.enqueue_dma source(%dma_start3A_208 : memref<128xi32, #tpu.memory_space<hbm>>) target(%arg10 : memref<128xi32, #tpu.memory_space<vmem>>) target_semaphore(%arg26 : memref<!tpu.dma_semaphore, #tpu.memory_space<semaphore_mem>>)
            %add3A_209 = arith.addi %mul3A_6, %sub3A_196 : i32
            %dma_start3A_210 = arith.constant 0 : i32
            %dma_start3A_211 = tpu.memref_slice %arg3[%add3A_209, %dma_start3A_210] : memref<2560x128xi32, #tpu.memory_space<hbm>> -> memref<1x128xi32, #tpu.memory_space<hbm>>
            %dma_start3A_212 = tpu.memref_squeeze %dma_start3A_211 : memref<1x128xi32, #tpu.memory_space<hbm>> -> memref<128xi32, #tpu.memory_space<hbm>>
            %dma_start3A_213 = arith.constant 0 : i32
            %dma_start3A_214 = tpu.memref_slice %arg3[%add3A_209, %dma_start3A_213] : memref<2560x128xi32, #tpu.memory_space<hbm>> -> memref<1x128xi32, #tpu.memory_space<hbm>>
            %dma_start3A_215 = tpu.memref_squeeze %dma_start3A_214 : memref<1x128xi32, #tpu.memory_space<hbm>> -> memref<128xi32, #tpu.memory_space<hbm>>
            tpu.enqueue_dma source(%dma_start3A_215 : memref<128xi32, #tpu.memory_space<hbm>>) target(%arg14 : memref<128xi32, #tpu.memory_space<vmem>>) target_semaphore(%arg26 : memref<!tpu.dma_semaphore, #tpu.memory_space<semaphore_mem>>)
          } else {
          }
        } else {
        }
        %dma_wait3A_176 = arith.constant 0 : i32
        %dma_wait3A_177 = tpu.memref_slice %arg2[%mul3A_6, %dma_wait3A_176] : memref<2560x128xi32, #tpu.memory_space<hbm>> -> memref<1x128xi32, #tpu.memory_space<hbm>>
        %dma_wait3A_178 = tpu.memref_squeeze %dma_wait3A_177 : memref<1x128xi32, #tpu.memory_space<hbm>> -> memref<128xi32, #tpu.memory_space<hbm>>
        %dma_wait3A_179 = arith.constant 0 : i32
        %dma_wait3A_180 = tpu.memref_slice %arg2[%mul3A_6, %dma_wait3A_179] : memref<2560x128xi32, #tpu.memory_space<hbm>> -> memref<1x128xi32, #tpu.memory_space<hbm>>
        %dma_wait3A_181 = tpu.memref_squeeze %dma_wait3A_180 : memref<1x128xi32, #tpu.memory_space<hbm>> -> memref<128xi32, #tpu.memory_space<hbm>>
        tpu.wait_dma2 semaphore(%arg24 : memref<!tpu.dma_semaphore, #tpu.memory_space<semaphore_mem>>) src(%dma_wait3A_181 : memref<128xi32, #tpu.memory_space<hbm>>) dst(%arg8 : memref<128xi32, #tpu.memory_space<vmem>>)
        %dma_wait3A_182 = arith.constant 0 : i32
        %dma_wait3A_183 = tpu.memref_slice %arg3[%mul3A_6, %dma_wait3A_182] : memref<2560x128xi32, #tpu.memory_space<hbm>> -> memref<1x128xi32, #tpu.memory_space<hbm>>
        %dma_wait3A_184 = tpu.memref_squeeze %dma_wait3A_183 : memref<1x128xi32, #tpu.memory_space<hbm>> -> memref<128xi32, #tpu.memory_space<hbm>>
        %dma_wait3A_185 = arith.constant 0 : i32
        %dma_wait3A_186 = tpu.memref_slice %arg3[%mul3A_6, %dma_wait3A_185] : memref<2560x128xi32, #tpu.memory_space<hbm>> -> memref<1x128xi32, #tpu.memory_space<hbm>>
        %dma_wait3A_187 = tpu.memref_squeeze %dma_wait3A_186 : memref<1x128xi32, #tpu.memory_space<hbm>> -> memref<128xi32, #tpu.memory_space<hbm>>
        tpu.wait_dma2 semaphore(%arg24 : memref<!tpu.dma_semaphore, #tpu.memory_space<semaphore_mem>>) src(%dma_wait3A_187 : memref<128xi32, #tpu.memory_space<hbm>>) dst(%arg12 : memref<128xi32, #tpu.memory_space<vmem>>)
        %dma_start3A_188 = arith.constant 0 : i32
        %dma_start3A_189 = arith.constant 0 : i32
        %dma_start3A_190 = tpu.memref_slice %arg18[%dma_start3A_188, %dma_start3A_189] : memref<10000x16xf32, #tpu.memory_space<vmem_shared>> -> memref<10000x16xf32, #tpu.memory_space<vmem_shared>>
        tpu.enqueue_indirect_dma source(%dma_start3A_190 : memref<10000x16xf32, #tpu.memory_space<vmem_shared>>) target(%arg16 : memref<128x16xf32, #tpu.memory_space<vmem>>) offsets(%arg8 : memref<128xi32, #tpu.memory_space<vmem>>) semaphore(%arg20 : memref<!tpu.dma_semaphore, #tpu.memory_space<semaphore_mem>>)
      } else {
      }
      %mul3A_121 = arith.constant 4 : i32
      %mul3A_122 = arith.muli %scan3A_104, %mul3A_121 : i32
      %add3A_123 = arith.constant 1 : i32
      %add3A_124 = arith.addi %mul3A_122, %add3A_123 : i32
      %dma_wait3A_125 = arith.constant 0 : i32
      %dma_wait3A_126 = arith.constant 0 : i32
      %dma_wait3A_127 = tpu.memref_slice %arg18[%dma_wait3A_125, %dma_wait3A_126] : memref<10000x16xf32, #tpu.memory_space<vmem_shared>> -> memref<10000x16xf32, #tpu.memory_space<vmem_shared>>
      tpu.wait_indirect_dma semaphore(%arg20 : memref<!tpu.dma_semaphore, #tpu.memory_space<semaphore_mem>>) src(%dma_wait3A_127 : memref<10000x16xf32, #tpu.memory_space<vmem_shared>>) dst(%arg16 : memref<128x16xf32, #tpu.memory_space<vmem>>)
      %dma_start3A_128 = arith.constant 0 : i32
      %dma_start3A_129 = arith.constant 0 : i32
      %dma_start3A_130 = tpu.memref_slice %arg17[%dma_start3A_128, %dma_start3A_129] : memref<10008x16xf32, #tpu.memory_space<vmem_shared>> -> memref<10008x16xf32, #tpu.memory_space<vmem_shared>>
      tpu.enqueue_indirect_dma source(%arg16 : memref<128x16xf32, #tpu.memory_space<vmem>>) target(%dma_start3A_130 : memref<10008x16xf32, #tpu.memory_space<vmem_shared>>) offsets(%arg12 : memref<128xi32, #tpu.memory_space<vmem>>) semaphore(%arg22 : memref<!tpu.dma_semaphore, #tpu.memory_space<semaphore_mem>>) {add = true}
      %add3A_131 = arith.constant 1 : i32
      %add3A_132 = arith.addi %add3A_124, %add3A_131 : i32
      %lt3A_133 = arith.constant 80 : i32
      %lt3A_134 = arith.cmpi slt, %add3A_132, %lt3A_133 : i32
      %convert_element_type3A_135 = arith.extui %lt3A_134 : i1 to i32
      %cond3A_136 = arith.constant 0 : i32
      %cond3A_137 = arith.cmpi ne, %convert_element_type3A_135, %cond3A_136 : i32
      scf.if %cond3A_137 {
        %ge3A = arith.constant 2 : i32
        %ge3A_172 = arith.cmpi sge, %add3A_132, %ge3A : i32
        %convert_element_type3A_173 = arith.extui %ge3A_172 : i1 to i32
        %cond3A_174 = arith.constant 0 : i32
        %cond3A_175 = arith.cmpi ne, %convert_element_type3A_173, %cond3A_174 : i32
        scf.if %cond3A_175 {
          %dma_wait3A_191 = arith.constant 0 : i32
          %dma_wait3A_192 = arith.constant 0 : i32
          %dma_wait3A_193 = tpu.memref_slice %arg17[%dma_wait3A_191, %dma_wait3A_192] : memref<10008x16xf32, #tpu.memory_space<vmem_shared>> -> memref<10008x16xf32, #tpu.memory_space<vmem_shared>>
          tpu.wait_indirect_dma semaphore(%arg21 : memref<!tpu.dma_semaphore, #tpu.memory_space<semaphore_mem>>) src(%arg15 : memref<128x16xf32, #tpu.memory_space<vmem>>) dst(%dma_wait3A_193 : memref<10008x16xf32, #tpu.memory_space<vmem_shared>>)
          %add3A_194 = arith.constant 4 : i32
          %add3A_195 = arith.addi %add3A_124, %add3A_194 : i32
          %sub3A = arith.constant 1 : i32
          %sub3A_196 = arith.subi %add3A_195, %sub3A : i32
          %lt3A_197 = arith.constant 80 : i32
          %lt3A_198 = arith.cmpi slt, %sub3A_196, %lt3A_197 : i32
          %convert_element_type3A_199 = arith.extui %lt3A_198 : i1 to i32
          %cond3A_200 = arith.constant 0 : i32
          %cond3A_201 = arith.cmpi ne, %convert_element_type3A_199, %cond3A_200 : i32
          scf.if %cond3A_201 {
            %add3A_202 = arith.addi %mul3A_6, %sub3A_196 : i32
            %dma_start3A_203 = arith.constant 0 : i32
            %dma_start3A_204 = tpu.memref_slice %arg2[%add3A_202, %dma_start3A_203] : memref<2560x128xi32, #tpu.memory_space<hbm>> -> memref<1x128xi32, #tpu.memory_space<hbm>>
            %dma_start3A_205 = tpu.memref_squeeze %dma_start3A_204 : memref<1x128xi32, #tpu.memory_space<hbm>> -> memref<128xi32, #tpu.memory_space<hbm>>
            %dma_start3A_206 = arith.constant 0 : i32
            %dma_start3A_207 = tpu.memref_slice %arg2[%add3A_202, %dma_start3A_206] : memref<2560x128xi32, #tpu.memory_space<hbm>> -> memref<1x128xi32, #tpu.memory_space<hbm>>
            %dma_start3A_208 = tpu.memref_squeeze %dma_start3A_207 : memref<1x128xi32, #tpu.memory_space<hbm>> -> memref<128xi32, #tpu.memory_space<hbm>>
            tpu.enqueue_dma source(%dma_start3A_208 : memref<128xi32, #tpu.memory_space<hbm>>) target(%arg7 : memref<128xi32, #tpu.memory_space<vmem>>) target_semaphore(%arg23 : memref<!tpu.dma_semaphore, #tpu.memory_space<semaphore_mem>>)
            %add3A_209 = arith.addi %mul3A_6, %sub3A_196 : i32
            %dma_start3A_210 = arith.constant 0 : i32
            %dma_start3A_211 = tpu.memref_slice %arg3[%add3A_209, %dma_start3A_210] : memref<2560x128xi32, #tpu.memory_space<hbm>> -> memref<1x128xi32, #tpu.memory_space<hbm>>
            %dma_start3A_212 = tpu.memref_squeeze %dma_start3A_211 : memref<1x128xi32, #tpu.memory_space<hbm>> -> memref<128xi32, #tpu.memory_space<hbm>>
            %dma_start3A_213 = arith.constant 0 : i32
            %dma_start3A_214 = tpu.memref_slice %arg3[%add3A_209, %dma_start3A_213] : memref<2560x128xi32, #tpu.memory_space<hbm>> -> memref<1x128xi32, #tpu.memory_space<hbm>>
            %dma_start3A_215 = tpu.memref_squeeze %dma_start3A_214 : memref<1x128xi32, #tpu.memory_space<hbm>> -> memref<128xi32, #tpu.memory_space<hbm>>
            tpu.enqueue_dma source(%dma_start3A_215 : memref<128xi32, #tpu.memory_space<hbm>>) target(%arg11 : memref<128xi32, #tpu.memory_space<vmem>>) target_semaphore(%arg23 : memref<!tpu.dma_semaphore, #tpu.memory_space<semaphore_mem>>)
          } else {
          }
        } else {
        }
        %dma_wait3A_176 = arith.constant 0 : i32
        %dma_wait3A_177 = tpu.memref_slice %arg2[%mul3A_6, %dma_wait3A_176] : memref<2560x128xi32, #tpu.memory_space<hbm>> -> memref<1x128xi32, #tpu.memory_space<hbm>>
        %dma_wait3A_178 = tpu.memref_squeeze %dma_wait3A_177 : memref<1x128xi32, #tpu.memory_space<hbm>> -> memref<128xi32, #tpu.memory_space<hbm>>
        %dma_wait3A_179 = arith.constant 0 : i32
        %dma_wait3A_180 = tpu.memref_slice %arg2[%mul3A_6, %dma_wait3A_179] : memref<2560x128xi32, #tpu.memory_space<hbm>> -> memref<1x128xi32, #tpu.memory_space<hbm>>
        %dma_wait3A_181 = tpu.memref_squeeze %dma_wait3A_180 : memref<1x128xi32, #tpu.memory_space<hbm>> -> memref<128xi32, #tpu.memory_space<hbm>>
        tpu.wait_dma2 semaphore(%arg25 : memref<!tpu.dma_semaphore, #tpu.memory_space<semaphore_mem>>) src(%dma_wait3A_181 : memref<128xi32, #tpu.memory_space<hbm>>) dst(%arg9 : memref<128xi32, #tpu.memory_space<vmem>>)
        %dma_wait3A_182 = arith.constant 0 : i32
        %dma_wait3A_183 = tpu.memref_slice %arg3[%mul3A_6, %dma_wait3A_182] : memref<2560x128xi32, #tpu.memory_space<hbm>> -> memref<1x128xi32, #tpu.memory_space<hbm>>
        %dma_wait3A_184 = tpu.memref_squeeze %dma_wait3A_183 : memref<1x128xi32, #tpu.memory_space<hbm>> -> memref<128xi32, #tpu.memory_space<hbm>>
        %dma_wait3A_185 = arith.constant 0 : i32
        %dma_wait3A_186 = tpu.memref_slice %arg3[%mul3A_6, %dma_wait3A_185] : memref<2560x128xi32, #tpu.memory_space<hbm>> -> memref<1x128xi32, #tpu.memory_space<hbm>>
        %dma_wait3A_187 = tpu.memref_squeeze %dma_wait3A_186 : memref<1x128xi32, #tpu.memory_space<hbm>> -> memref<128xi32, #tpu.memory_space<hbm>>
        tpu.wait_dma2 semaphore(%arg25 : memref<!tpu.dma_semaphore, #tpu.memory_space<semaphore_mem>>) src(%dma_wait3A_187 : memref<128xi32, #tpu.memory_space<hbm>>) dst(%arg13 : memref<128xi32, #tpu.memory_space<vmem>>)
        %dma_start3A_188 = arith.constant 0 : i32
        %dma_start3A_189 = arith.constant 0 : i32
        %dma_start3A_190 = tpu.memref_slice %arg18[%dma_start3A_188, %dma_start3A_189] : memref<10000x16xf32, #tpu.memory_space<vmem_shared>> -> memref<10000x16xf32, #tpu.memory_space<vmem_shared>>
        tpu.enqueue_indirect_dma source(%dma_start3A_190 : memref<10000x16xf32, #tpu.memory_space<vmem_shared>>) target(%arg15 : memref<128x16xf32, #tpu.memory_space<vmem>>) offsets(%arg9 : memref<128xi32, #tpu.memory_space<vmem>>) semaphore(%arg19 : memref<!tpu.dma_semaphore, #tpu.memory_space<semaphore_mem>>)
      } else {
      }
      %mul3A_138 = arith.constant 4 : i32
      %mul3A_139 = arith.muli %scan3A_104, %mul3A_138 : i32
      %add3A_140 = arith.constant 2 : i32
      %add3A_141 = arith.addi %mul3A_139, %add3A_140 : i32
      %dma_wait3A_142 = arith.constant 0 : i32
      %dma_wait3A_143 = arith.constant 0 : i32
      %dma_wait3A_144 = tpu.memref_slice %arg18[%dma_wait3A_142, %dma_wait3A_143] : memref<10000x16xf32, #tpu.memory_space<vmem_shared>> -> memref<10000x16xf32, #tpu.memory_space<vmem_shared>>
      tpu.wait_indirect_dma semaphore(%arg19 : memref<!tpu.dma_semaphore, #tpu.memory_space<semaphore_mem>>) src(%dma_wait3A_144 : memref<10000x16xf32, #tpu.memory_space<vmem_shared>>) dst(%arg15 : memref<128x16xf32, #tpu.memory_space<vmem>>)
      %dma_start3A_145 = arith.constant 0 : i32
      %dma_start3A_146 = arith.constant 0 : i32
      %dma_start3A_147 = tpu.memref_slice %arg17[%dma_start3A_145, %dma_start3A_146] : memref<10008x16xf32, #tpu.memory_space<vmem_shared>> -> memref<10008x16xf32, #tpu.memory_space<vmem_shared>>
      tpu.enqueue_indirect_dma source(%arg15 : memref<128x16xf32, #tpu.memory_space<vmem>>) target(%dma_start3A_147 : memref<10008x16xf32, #tpu.memory_space<vmem_shared>>) offsets(%arg13 : memref<128xi32, #tpu.memory_space<vmem>>) semaphore(%arg21 : memref<!tpu.dma_semaphore, #tpu.memory_space<semaphore_mem>>) {add = true}
      %add3A_148 = arith.constant 1 : i32
      %add3A_149 = arith.addi %add3A_141, %add3A_148 : i32
      %lt3A_150 = arith.constant 80 : i32
      %lt3A_151 = arith.cmpi slt, %add3A_149, %lt3A_150 : i32
      %convert_element_type3A_152 = arith.extui %lt3A_151 : i1 to i32
      %cond3A_153 = arith.constant 0 : i32
      %cond3A_154 = arith.cmpi ne, %convert_element_type3A_152, %cond3A_153 : i32
      scf.if %cond3A_154 {
        %ge3A = arith.constant 2 : i32
        %ge3A_172 = arith.cmpi sge, %add3A_149, %ge3A : i32
        %convert_element_type3A_173 = arith.extui %ge3A_172 : i1 to i32
        %cond3A_174 = arith.constant 0 : i32
        %cond3A_175 = arith.cmpi ne, %convert_element_type3A_173, %cond3A_174 : i32
        scf.if %cond3A_175 {
          %dma_wait3A_191 = arith.constant 0 : i32
          %dma_wait3A_192 = arith.constant 0 : i32
          %dma_wait3A_193 = tpu.memref_slice %arg17[%dma_wait3A_191, %dma_wait3A_192] : memref<10008x16xf32, #tpu.memory_space<vmem_shared>> -> memref<10008x16xf32, #tpu.memory_space<vmem_shared>>
          tpu.wait_indirect_dma semaphore(%arg22 : memref<!tpu.dma_semaphore, #tpu.memory_space<semaphore_mem>>) src(%arg16 : memref<128x16xf32, #tpu.memory_space<vmem>>) dst(%dma_wait3A_193 : memref<10008x16xf32, #tpu.memory_space<vmem_shared>>)
          %add3A_194 = arith.constant 4 : i32
          %add3A_195 = arith.addi %add3A_141, %add3A_194 : i32
          %sub3A = arith.constant 1 : i32
          %sub3A_196 = arith.subi %add3A_195, %sub3A : i32
          %lt3A_197 = arith.constant 80 : i32
          %lt3A_198 = arith.cmpi slt, %sub3A_196, %lt3A_197 : i32
          %convert_element_type3A_199 = arith.extui %lt3A_198 : i1 to i32
          %cond3A_200 = arith.constant 0 : i32
          %cond3A_201 = arith.cmpi ne, %convert_element_type3A_199, %cond3A_200 : i32
          scf.if %cond3A_201 {
            %add3A_202 = arith.addi %mul3A_6, %sub3A_196 : i32
            %dma_start3A_203 = arith.constant 0 : i32
            %dma_start3A_204 = tpu.memref_slice %arg2[%add3A_202, %dma_start3A_203] : memref<2560x128xi32, #tpu.memory_space<hbm>> -> memref<1x128xi32, #tpu.memory_space<hbm>>
            %dma_start3A_205 = tpu.memref_squeeze %dma_start3A_204 : memref<1x128xi32, #tpu.memory_space<hbm>> -> memref<128xi32, #tpu.memory_space<hbm>>
            %dma_start3A_206 = arith.constant 0 : i32
            %dma_start3A_207 = tpu.memref_slice %arg2[%add3A_202, %dma_start3A_206] : memref<2560x128xi32, #tpu.memory_space<hbm>> -> memref<1x128xi32, #tpu.memory_space<hbm>>
            %dma_start3A_208 = tpu.memref_squeeze %dma_start3A_207 : memref<1x128xi32, #tpu.memory_space<hbm>> -> memref<128xi32, #tpu.memory_space<hbm>>
            tpu.enqueue_dma source(%dma_start3A_208 : memref<128xi32, #tpu.memory_space<hbm>>) target(%arg8 : memref<128xi32, #tpu.memory_space<vmem>>) target_semaphore(%arg24 : memref<!tpu.dma_semaphore, #tpu.memory_space<semaphore_mem>>)
            %add3A_209 = arith.addi %mul3A_6, %sub3A_196 : i32
            %dma_start3A_210 = arith.constant 0 : i32
            %dma_start3A_211 = tpu.memref_slice %arg3[%add3A_209, %dma_start3A_210] : memref<2560x128xi32, #tpu.memory_space<hbm>> -> memref<1x128xi32, #tpu.memory_space<hbm>>
            %dma_start3A_212 = tpu.memref_squeeze %dma_start3A_211 : memref<1x128xi32, #tpu.memory_space<hbm>> -> memref<128xi32, #tpu.memory_space<hbm>>
            %dma_start3A_213 = arith.constant 0 : i32
            %dma_start3A_214 = tpu.memref_slice %arg3[%add3A_209, %dma_start3A_213] : memref<2560x128xi32, #tpu.memory_space<hbm>> -> memref<1x128xi32, #tpu.memory_space<hbm>>
            %dma_start3A_215 = tpu.memref_squeeze %dma_start3A_214 : memref<1x128xi32, #tpu.memory_space<hbm>> -> memref<128xi32, #tpu.memory_space<hbm>>
            tpu.enqueue_dma source(%dma_start3A_215 : memref<128xi32, #tpu.memory_space<hbm>>) target(%arg12 : memref<128xi32, #tpu.memory_space<vmem>>) target_semaphore(%arg24 : memref<!tpu.dma_semaphore, #tpu.memory_space<semaphore_mem>>)
          } else {
          }
        } else {
        }
        %dma_wait3A_176 = arith.constant 0 : i32
        %dma_wait3A_177 = tpu.memref_slice %arg2[%mul3A_6, %dma_wait3A_176] : memref<2560x128xi32, #tpu.memory_space<hbm>> -> memref<1x128xi32, #tpu.memory_space<hbm>>
        %dma_wait3A_178 = tpu.memref_squeeze %dma_wait3A_177 : memref<1x128xi32, #tpu.memory_space<hbm>> -> memref<128xi32, #tpu.memory_space<hbm>>
        %dma_wait3A_179 = arith.constant 0 : i32
        %dma_wait3A_180 = tpu.memref_slice %arg2[%mul3A_6, %dma_wait3A_179] : memref<2560x128xi32, #tpu.memory_space<hbm>> -> memref<1x128xi32, #tpu.memory_space<hbm>>
        %dma_wait3A_181 = tpu.memref_squeeze %dma_wait3A_180 : memref<1x128xi32, #tpu.memory_space<hbm>> -> memref<128xi32, #tpu.memory_space<hbm>>
        tpu.wait_dma2 semaphore(%arg26 : memref<!tpu.dma_semaphore, #tpu.memory_space<semaphore_mem>>) src(%dma_wait3A_181 : memref<128xi32, #tpu.memory_space<hbm>>) dst(%arg10 : memref<128xi32, #tpu.memory_space<vmem>>)
        %dma_wait3A_182 = arith.constant 0 : i32
        %dma_wait3A_183 = tpu.memref_slice %arg3[%mul3A_6, %dma_wait3A_182] : memref<2560x128xi32, #tpu.memory_space<hbm>> -> memref<1x128xi32, #tpu.memory_space<hbm>>
        %dma_wait3A_184 = tpu.memref_squeeze %dma_wait3A_183 : memref<1x128xi32, #tpu.memory_space<hbm>> -> memref<128xi32, #tpu.memory_space<hbm>>
        %dma_wait3A_185 = arith.constant 0 : i32
        %dma_wait3A_186 = tpu.memref_slice %arg3[%mul3A_6, %dma_wait3A_185] : memref<2560x128xi32, #tpu.memory_space<hbm>> -> memref<1x128xi32, #tpu.memory_space<hbm>>
        %dma_wait3A_187 = tpu.memref_squeeze %dma_wait3A_186 : memref<1x128xi32, #tpu.memory_space<hbm>> -> memref<128xi32, #tpu.memory_space<hbm>>
        tpu.wait_dma2 semaphore(%arg26 : memref<!tpu.dma_semaphore, #tpu.memory_space<semaphore_mem>>) src(%dma_wait3A_187 : memref<128xi32, #tpu.memory_space<hbm>>) dst(%arg14 : memref<128xi32, #tpu.memory_space<vmem>>)
        %dma_start3A_188 = arith.constant 0 : i32
        %dma_start3A_189 = arith.constant 0 : i32
        %dma_start3A_190 = tpu.memref_slice %arg18[%dma_start3A_188, %dma_start3A_189] : memref<10000x16xf32, #tpu.memory_space<vmem_shared>> -> memref<10000x16xf32, #tpu.memory_space<vmem_shared>>
        tpu.enqueue_indirect_dma source(%dma_start3A_190 : memref<10000x16xf32, #tpu.memory_space<vmem_shared>>) target(%arg16 : memref<128x16xf32, #tpu.memory_space<vmem>>) offsets(%arg10 : memref<128xi32, #tpu.memory_space<vmem>>) semaphore(%arg20 : memref<!tpu.dma_semaphore, #tpu.memory_space<semaphore_mem>>)
      } else {
      }
      %mul3A_155 = arith.constant 4 : i32
      %mul3A_156 = arith.muli %scan3A_104, %mul3A_155 : i32
      %add3A_157 = arith.constant 3 : i32
      %add3A_158 = arith.addi %mul3A_156, %add3A_157 : i32
      %dma_wait3A_159 = arith.constant 0 : i32
      %dma_wait3A_160 = arith.constant 0 : i32
      %dma_wait3A_161 = tpu.memref_slice %arg18[%dma_wait3A_159, %dma_wait3A_160] : memref<10000x16xf32, #tpu.memory_space<vmem_shared>> -> memref<10000x16xf32, #tpu.memory_space<vmem_shared>>
      tpu.wait_indirect_dma semaphore(%arg20 : memref<!tpu.dma_semaphore, #tpu.memory_space<semaphore_mem>>) src(%dma_wait3A_161 : memref<10000x16xf32, #tpu.memory_space<vmem_shared>>) dst(%arg16 : memref<128x16xf32, #tpu.memory_space<vmem>>)
      %dma_start3A_162 = arith.constant 0 : i32
      %dma_start3A_163 = arith.constant 0 : i32
      %dma_start3A_164 = tpu.memref_slice %arg17[%dma_start3A_162, %dma_start3A_163] : memref<10008x16xf32, #tpu.memory_space<vmem_shared>> -> memref<10008x16xf32, #tpu.memory_space<vmem_shared>>
      tpu.enqueue_indirect_dma source(%arg16 : memref<128x16xf32, #tpu.memory_space<vmem>>) target(%dma_start3A_164 : memref<10008x16xf32, #tpu.memory_space<vmem_shared>>) offsets(%arg14 : memref<128xi32, #tpu.memory_space<vmem>>) semaphore(%arg22 : memref<!tpu.dma_semaphore, #tpu.memory_space<semaphore_mem>>) {add = true}
      %add3A_165 = arith.constant 1 : i32
      %add3A_166 = arith.addi %add3A_158, %add3A_165 : i32
      %lt3A_167 = arith.constant 80 : i32
      %lt3A_168 = arith.cmpi slt, %add3A_166, %lt3A_167 : i32
      %convert_element_type3A_169 = arith.extui %lt3A_168 : i1 to i32
      %cond3A_170 = arith.constant 0 : i32
      %cond3A_171 = arith.cmpi ne, %convert_element_type3A_169, %cond3A_170 : i32
      scf.if %cond3A_171 {
        %ge3A = arith.constant 2 : i32
        %ge3A_172 = arith.cmpi sge, %add3A_166, %ge3A : i32
        %convert_element_type3A_173 = arith.extui %ge3A_172 : i1 to i32
        %cond3A_174 = arith.constant 0 : i32
        %cond3A_175 = arith.cmpi ne, %convert_element_type3A_173, %cond3A_174 : i32
        scf.if %cond3A_175 {
          %dma_wait3A_191 = arith.constant 0 : i32
          %dma_wait3A_192 = arith.constant 0 : i32
          %dma_wait3A_193 = tpu.memref_slice %arg17[%dma_wait3A_191, %dma_wait3A_192] : memref<10008x16xf32, #tpu.memory_space<vmem_shared>> -> memref<10008x16xf32, #tpu.memory_space<vmem_shared>>
          tpu.wait_indirect_dma semaphore(%arg21 : memref<!tpu.dma_semaphore, #tpu.memory_space<semaphore_mem>>) src(%arg15 : memref<128x16xf32, #tpu.memory_space<vmem>>) dst(%dma_wait3A_193 : memref<10008x16xf32, #tpu.memory_space<vmem_shared>>)
          %add3A_194 = arith.constant 4 : i32
          %add3A_195 = arith.addi %add3A_158, %add3A_194 : i32
          %sub3A = arith.constant 1 : i32
          %sub3A_196 = arith.subi %add3A_195, %sub3A : i32
          %lt3A_197 = arith.constant 80 : i32
          %lt3A_198 = arith.cmpi slt, %sub3A_196, %lt3A_197 : i32
          %convert_element_type3A_199 = arith.extui %lt3A_198 : i1 to i32
          %cond3A_200 = arith.constant 0 : i32
          %cond3A_201 = arith.cmpi ne, %convert_element_type3A_199, %cond3A_200 : i32
          scf.if %cond3A_201 {
            %add3A_202 = arith.addi %mul3A_6, %sub3A_196 : i32
            %dma_start3A_203 = arith.constant 0 : i32
            %dma_start3A_204 = tpu.memref_slice %arg2[%add3A_202, %dma_start3A_203] : memref<2560x128xi32, #tpu.memory_space<hbm>> -> memref<1x128xi32, #tpu.memory_space<hbm>>
            %dma_start3A_205 = tpu.memref_squeeze %dma_start3A_204 : memref<1x128xi32, #tpu.memory_space<hbm>> -> memref<128xi32, #tpu.memory_space<hbm>>
            %dma_start3A_206 = arith.constant 0 : i32
            %dma_start3A_207 = tpu.memref_slice %arg2[%add3A_202, %dma_start3A_206] : memref<2560x128xi32, #tpu.memory_space<hbm>> -> memref<1x128xi32, #tpu.memory_space<hbm>>
            %dma_start3A_208 = tpu.memref_squeeze %dma_start3A_207 : memref<1x128xi32, #tpu.memory_space<hbm>> -> memref<128xi32, #tpu.memory_space<hbm>>
            tpu.enqueue_dma source(%dma_start3A_208 : memref<128xi32, #tpu.memory_space<hbm>>) target(%arg9 : memref<128xi32, #tpu.memory_space<vmem>>) target_semaphore(%arg25 : memref<!tpu.dma_semaphore, #tpu.memory_space<semaphore_mem>>)
            %add3A_209 = arith.addi %mul3A_6, %sub3A_196 : i32
            %dma_start3A_210 = arith.constant 0 : i32
            %dma_start3A_211 = tpu.memref_slice %arg3[%add3A_209, %dma_start3A_210] : memref<2560x128xi32, #tpu.memory_space<hbm>> -> memref<1x128xi32, #tpu.memory_space<hbm>>
            %dma_start3A_212 = tpu.memref_squeeze %dma_start3A_211 : memref<1x128xi32, #tpu.memory_space<hbm>> -> memref<128xi32, #tpu.memory_space<hbm>>
            %dma_start3A_213 = arith.constant 0 : i32
            %dma_start3A_214 = tpu.memref_slice %arg3[%add3A_209, %dma_start3A_213] : memref<2560x128xi32, #tpu.memory_space<hbm>> -> memref<1x128xi32, #tpu.memory_space<hbm>>
            %dma_start3A_215 = tpu.memref_squeeze %dma_start3A_214 : memref<1x128xi32, #tpu.memory_space<hbm>> -> memref<128xi32, #tpu.memory_space<hbm>>
            tpu.enqueue_dma source(%dma_start3A_215 : memref<128xi32, #tpu.memory_space<hbm>>) target(%arg13 : memref<128xi32, #tpu.memory_space<vmem>>) target_semaphore(%arg25 : memref<!tpu.dma_semaphore, #tpu.memory_space<semaphore_mem>>)
          } else {
          }
        } else {
        }
        %dma_wait3A_176 = arith.constant 0 : i32
        %dma_wait3A_177 = tpu.memref_slice %arg2[%mul3A_6, %dma_wait3A_176] : memref<2560x128xi32, #tpu.memory_space<hbm>> -> memref<1x128xi32, #tpu.memory_space<hbm>>
        %dma_wait3A_178 = tpu.memref_squeeze %dma_wait3A_177 : memref<1x128xi32, #tpu.memory_space<hbm>> -> memref<128xi32, #tpu.memory_space<hbm>>
        %dma_wait3A_179 = arith.constant 0 : i32
        %dma_wait3A_180 = tpu.memref_slice %arg2[%mul3A_6, %dma_wait3A_179] : memref<2560x128xi32, #tpu.memory_space<hbm>> -> memref<1x128xi32, #tpu.memory_space<hbm>>
        %dma_wait3A_181 = tpu.memref_squeeze %dma_wait3A_180 : memref<1x128xi32, #tpu.memory_space<hbm>> -> memref<128xi32, #tpu.memory_space<hbm>>
        tpu.wait_dma2 semaphore(%arg23 : memref<!tpu.dma_semaphore, #tpu.memory_space<semaphore_mem>>) src(%dma_wait3A_181 : memref<128xi32, #tpu.memory_space<hbm>>) dst(%arg7 : memref<128xi32, #tpu.memory_space<vmem>>)
        %dma_wait3A_182 = arith.constant 0 : i32
        %dma_wait3A_183 = tpu.memref_slice %arg3[%mul3A_6, %dma_wait3A_182] : memref<2560x128xi32, #tpu.memory_space<hbm>> -> memref<1x128xi32, #tpu.memory_space<hbm>>
        %dma_wait3A_184 = tpu.memref_squeeze %dma_wait3A_183 : memref<1x128xi32, #tpu.memory_space<hbm>> -> memref<128xi32, #tpu.memory_space<hbm>>
        %dma_wait3A_185 = arith.constant 0 : i32
        %dma_wait3A_186 = tpu.memref_slice %arg3[%mul3A_6, %dma_wait3A_185] : memref<2560x128xi32, #tpu.memory_space<hbm>> -> memref<1x128xi32, #tpu.memory_space<hbm>>
        %dma_wait3A_187 = tpu.memref_squeeze %dma_wait3A_186 : memref<1x128xi32, #tpu.memory_space<hbm>> -> memref<128xi32, #tpu.memory_space<hbm>>
        tpu.wait_dma2 semaphore(%arg23 : memref<!tpu.dma_semaphore, #tpu.memory_space<semaphore_mem>>) src(%dma_wait3A_187 : memref<128xi32, #tpu.memory_space<hbm>>) dst(%arg11 : memref<128xi32, #tpu.memory_space<vmem>>)
        %dma_start3A_188 = arith.constant 0 : i32
        %dma_start3A_189 = arith.constant 0 : i32
        %dma_start3A_190 = tpu.memref_slice %arg18[%dma_start3A_188, %dma_start3A_189] : memref<10000x16xf32, #tpu.memory_space<vmem_shared>> -> memref<10000x16xf32, #tpu.memory_space<vmem_shared>>
        tpu.enqueue_indirect_dma source(%dma_start3A_190 : memref<10000x16xf32, #tpu.memory_space<vmem_shared>>) target(%arg15 : memref<128x16xf32, #tpu.memory_space<vmem>>) offsets(%arg7 : memref<128xi32, #tpu.memory_space<vmem>>) semaphore(%arg19 : memref<!tpu.dma_semaphore, #tpu.memory_space<semaphore_mem>>)
      } else {
      }
    }
    %scan3A_88 = arith.constant 20 : i32
    %dma_wait3A_89 = arith.constant 0 : i32
    %dma_wait3A_90 = arith.constant 0 : i32
    %dma_wait3A_91 = tpu.memref_slice %arg17[%dma_wait3A_89, %dma_wait3A_90] : memref<10008x16xf32, #tpu.memory_space<vmem_shared>> -> memref<10008x16xf32, #tpu.memory_space<vmem_shared>>
    tpu.wait_indirect_dma semaphore(%arg21 : memref<!tpu.dma_semaphore, #tpu.memory_space<semaphore_mem>>) src(%arg15 : memref<128x16xf32, #tpu.memory_space<vmem>>) dst(%dma_wait3A_91 : memref<10008x16xf32, #tpu.memory_space<vmem_shared>>)
    %dma_wait3A_92 = arith.constant 0 : i32
    %dma_wait3A_93 = arith.constant 0 : i32
    %dma_wait3A_94 = tpu.memref_slice %arg17[%dma_wait3A_92, %dma_wait3A_93] : memref<10008x16xf32, #tpu.memory_space<vmem_shared>> -> memref<10008x16xf32, #tpu.memory_space<vmem_shared>>
    tpu.wait_indirect_dma semaphore(%arg22 : memref<!tpu.dma_semaphore, #tpu.memory_space<semaphore_mem>>) src(%arg16 : memref<128x16xf32, #tpu.memory_space<vmem>>) dst(%dma_wait3A_94 : memref<10008x16xf32, #tpu.memory_space<vmem_shared>>)
    %barrier3A_95 = arith.constant 0 : index
    tpu.barrier barrier_id(%barrier3A_95)
    %mul3A_96 = arith.constant 10000 : i32
    %mul3A_97 = arith.muli %arg0, %mul3A_96 : i32
    %add3A_98 = arith.addi %mul3A_97, %mul3A_2 : i32
    "tpu.region"() ({
      %run_scoped3A = tpu.sem_alloc : memref<!tpu.dma_semaphore, #tpu.memory_space<semaphore_mem>>
      %dma_start3A_104 = arith.constant 0 : i32
      %dma_start3A_105 = tpu.memref_slice %arg6[%add3A_98, %dma_start3A_104] : memref<20000x16xf32, #tpu.memory_space<hbm>> -> memref<624x16xf32, #tpu.memory_space<hbm>>
      %dma_start3A_106 = arith.constant 0 : i32
      %dma_start3A_107 = tpu.memref_slice %arg17[%mul3A_2, %dma_start3A_106] : memref<10008x16xf32, #tpu.memory_space<vmem_shared>> -> memref<624x16xf32, #tpu.memory_space<vmem_shared>>
      tpu.enqueue_dma source(%dma_start3A_107 : memref<624x16xf32, #tpu.memory_space<vmem_shared>>) target(%dma_start3A_105 : memref<624x16xf32, #tpu.memory_space<hbm>>) target_semaphore(%run_scoped3A : memref<!tpu.dma_semaphore, #tpu.memory_space<semaphore_mem>>)
      %dma_wait3A_108 = arith.constant 0 : i32
      %dma_wait3A_109 = tpu.memref_slice %arg6[%add3A_98, %dma_wait3A_108] : memref<20000x16xf32, #tpu.memory_space<hbm>> -> memref<624x16xf32, #tpu.memory_space<hbm>>
      %dma_wait3A_110 = arith.constant 0 : i32
      %dma_wait3A_111 = tpu.memref_slice %arg17[%mul3A_2, %dma_wait3A_110] : memref<10008x16xf32, #tpu.memory_space<vmem_shared>> -> memref<624x16xf32, #tpu.memory_space<vmem_shared>>
      tpu.wait_dma2 semaphore(%run_scoped3A : memref<!tpu.dma_semaphore, #tpu.memory_space<semaphore_mem>>) src(%dma_wait3A_111 : memref<624x16xf32, #tpu.memory_space<vmem_shared>>) dst(%dma_wait3A_109 : memref<624x16xf32, #tpu.memory_space<hbm>>)
      tpu.yield
    }) : () -> ()
    %eq3A_99 = arith.constant 0 : i32
    %eq3A_100 = arith.cmpi eq, %arg1, %eq3A_99 : i32
    %convert_element_type3A_101 = arith.extui %eq3A_100 : i1 to i32
    %cond3A_102 = arith.constant 0 : i32
    %cond3A_103 = arith.cmpi ne, %convert_element_type3A_101, %cond3A_102 : i32
    scf.if %cond3A_103 {
      %mul3A_104 = arith.constant 10000 : i32
      %mul3A_105 = arith.muli %arg0, %mul3A_104 : i32
      %add3A_106 = arith.constant 9984 : i32
      %add3A_107 = arith.addi %mul3A_105, %add3A_106 : i32
      "tpu.region"() ({
        %run_scoped3A = tpu.sem_alloc : memref<!tpu.dma_semaphore, #tpu.memory_space<semaphore_mem>>
        %dma_start3A_108 = arith.constant 0 : i32
        %dma_start3A_109 = tpu.memref_slice %arg6[%add3A_107, %dma_start3A_108] : memref<20000x16xf32, #tpu.memory_space<hbm>> -> memref<16x16xf32, #tpu.memory_space<hbm>>
        %dma_start3A_110 = arith.constant 9984 : i32
        %dma_start3A_111 = arith.constant 0 : i32
        %dma_start3A_112 = tpu.memref_slice %arg17[%dma_start3A_110, %dma_start3A_111] : memref<10008x16xf32, #tpu.memory_space<vmem_shared>> -> memref<16x16xf32, #tpu.memory_space<vmem_shared>>
        tpu.enqueue_dma source(%dma_start3A_112 : memref<16x16xf32, #tpu.memory_space<vmem_shared>>) target(%dma_start3A_109 : memref<16x16xf32, #tpu.memory_space<hbm>>) target_semaphore(%run_scoped3A : memref<!tpu.dma_semaphore, #tpu.memory_space<semaphore_mem>>)
        %dma_wait3A_113 = arith.constant 0 : i32
        %dma_wait3A_114 = tpu.memref_slice %arg6[%add3A_107, %dma_wait3A_113] : memref<20000x16xf32, #tpu.memory_space<hbm>> -> memref<16x16xf32, #tpu.memory_space<hbm>>
        %dma_wait3A_115 = arith.constant 9984 : i32
        %dma_wait3A_116 = arith.constant 0 : i32
        %dma_wait3A_117 = tpu.memref_slice %arg17[%dma_wait3A_115, %dma_wait3A_116] : memref<10008x16xf32, #tpu.memory_space<vmem_shared>> -> memref<16x16xf32, #tpu.memory_space<vmem_shared>>
        tpu.wait_dma2 semaphore(%run_scoped3A : memref<!tpu.dma_semaphore, #tpu.memory_space<semaphore_mem>>) src(%dma_wait3A_117 : memref<16x16xf32, #tpu.memory_space<vmem_shared>>) dst(%dma_wait3A_114 : memref<16x16xf32, #tpu.memory_space<hbm>>)
        tpu.yield
      }) : () -> ()
    } else {
    }
    return
  }
}

#map = affine_map<(d0, d1) -> (0, 0)>
module attributes {stable_mosaic.version = 14 : i64} {
  func.func @k(%arg0: i32, %arg1: i32, %arg2: memref<4000x80xi32, #tpu.memory_space<hbm>>, %arg3: memref<4000x80xi32, #tpu.memory_space<hbm>>, %arg4: memref<10000x128xf32, #tpu.memory_space<hbm>>, %arg5: memref<624x128xf32, #tpu.memory_space<hbm>>, %arg6: memref<624x16xf32, #tpu.memory_space<hbm>>, %arg7: memref<80x16xf32, #tpu.memory_space<hbm>>, %arg8: memref<20000x128xf32, #tpu.memory_space<hbm>>, %arg9: memref<20000x16xf32, #tpu.memory_space<hbm>>, %arg10: memref<125x80xi32, #tpu.memory_space<vmem>>, %arg11: memref<125x80xi32, #tpu.memory_space<vmem>>, %arg12: memref<80x128xf32, #tpu.memory_space<vmem>>, %arg13: memref<80x16xf32, #tpu.memory_space<vmem>>, %arg14: memref<10008x128xf32, #tpu.memory_space<vmem_shared>>, %arg15: memref<10008x16xf32, #tpu.memory_space<vmem_shared>>, %arg16: memref<!tpu.dma_semaphore, #tpu.memory_space<semaphore_mem>>) attributes {dimension_semantics = [#tpu.dimension_semantics<core_parallel>, #tpu.dimension_semantics<subcore_parallel>], iteration_bounds = array<i64: 2, 16>, scalar_prefetch = 0 : i64, scratch_operands = 7 : i64, tpu.core_type = #tpu.core_type<sc_vector_subcore>, window_params = [{transform_indices = #map}, {transform_indices = #map}, {transform_indices = #map}, {transform_indices = #map}, {transform_indices = #map}, {transform_indices = #map}, {transform_indices = #map}, {transform_indices = #map}]} {
    %mul3A = arith.constant 16 : i32
    %mul3A_0 = arith.muli %arg0, %mul3A : i32
    %add3A = arith.addi %mul3A_0, %arg1 : i32
    %mul3A_1 = arith.constant 624 : i32
    %mul3A_2 = arith.muli %arg1, %mul3A_1 : i32
    "tpu.region"() ({
      %run_scoped3A = tpu.sem_alloc : memref<!tpu.dma_semaphore, #tpu.memory_space<semaphore_mem>>
      %dma_start3A = arith.constant 0 : i32
      %dma_start3A_23 = tpu.memref_slice %arg14[%mul3A_2, %dma_start3A] : memref<10008x128xf32, #tpu.memory_space<vmem_shared>> -> memref<624x128xf32, #tpu.memory_space<vmem_shared>>
      tpu.enqueue_dma source(%arg5 : memref<624x128xf32, #tpu.memory_space<hbm>>) target(%dma_start3A_23 : memref<624x128xf32, #tpu.memory_space<vmem_shared>>) target_semaphore(%run_scoped3A : memref<!tpu.dma_semaphore, #tpu.memory_space<semaphore_mem>>)
      %dma_wait3A = arith.constant 0 : i32
      %dma_wait3A_24 = tpu.memref_slice %arg14[%mul3A_2, %dma_wait3A] : memref<10008x128xf32, #tpu.memory_space<vmem_shared>> -> memref<624x128xf32, #tpu.memory_space<vmem_shared>>
      tpu.wait_dma2 semaphore(%run_scoped3A : memref<!tpu.dma_semaphore, #tpu.memory_space<semaphore_mem>>) src(%arg5 : memref<624x128xf32, #tpu.memory_space<hbm>>) dst(%dma_wait3A_24 : memref<624x128xf32, #tpu.memory_space<vmem_shared>>)
      tpu.yield
    }) : () -> ()
    "tpu.region"() ({
      %run_scoped3A = tpu.sem_alloc : memref<!tpu.dma_semaphore, #tpu.memory_space<semaphore_mem>>
      %dma_start3A = arith.constant 0 : i32
      %dma_start3A_23 = tpu.memref_slice %arg15[%mul3A_2, %dma_start3A] : memref<10008x16xf32, #tpu.memory_space<vmem_shared>> -> memref<624x16xf32, #tpu.memory_space<vmem_shared>>
      tpu.enqueue_dma source(%arg6 : memref<624x16xf32, #tpu.memory_space<hbm>>) target(%dma_start3A_23 : memref<624x16xf32, #tpu.memory_space<vmem_shared>>) target_semaphore(%run_scoped3A : memref<!tpu.dma_semaphore, #tpu.memory_space<semaphore_mem>>)
      %dma_wait3A = arith.constant 0 : i32
      %dma_wait3A_24 = tpu.memref_slice %arg15[%mul3A_2, %dma_wait3A] : memref<10008x16xf32, #tpu.memory_space<vmem_shared>> -> memref<624x16xf32, #tpu.memory_space<vmem_shared>>
      tpu.wait_dma2 semaphore(%run_scoped3A : memref<!tpu.dma_semaphore, #tpu.memory_space<semaphore_mem>>) src(%arg6 : memref<624x16xf32, #tpu.memory_space<hbm>>) dst(%dma_wait3A_24 : memref<624x16xf32, #tpu.memory_space<vmem_shared>>)
      tpu.yield
    }) : () -> ()
    "tpu.region"() ({
      %run_scoped3A = tpu.sem_alloc : memref<!tpu.dma_semaphore, #tpu.memory_space<semaphore_mem>>
      tpu.enqueue_dma source(%arg7 : memref<80x16xf32, #tpu.memory_space<hbm>>) target(%arg13 : memref<80x16xf32, #tpu.memory_space<vmem>>) target_semaphore(%run_scoped3A : memref<!tpu.dma_semaphore, #tpu.memory_space<semaphore_mem>>)
      tpu.wait_dma2 semaphore(%run_scoped3A : memref<!tpu.dma_semaphore, #tpu.memory_space<semaphore_mem>>) src(%arg7 : memref<80x16xf32, #tpu.memory_space<hbm>>) dst(%arg13 : memref<80x16xf32, #tpu.memory_space<vmem>>)
      tpu.yield
    }) : () -> ()
    %eq3A = arith.constant 0 : i32
    %eq3A_3 = arith.cmpi eq, %arg1, %eq3A : i32
    %convert_element_type3A = arith.extui %eq3A_3 : i1 to i32
    %cond3A = arith.constant 0 : i32
    %cond3A_4 = arith.cmpi ne, %convert_element_type3A, %cond3A : i32
    scf.if %cond3A_4 {
      "tpu.region"() ({
        %run_scoped3A = tpu.sem_alloc : memref<!tpu.dma_semaphore, #tpu.memory_space<semaphore_mem>>
        %dma_start3A = arith.constant 9984 : i32
        %dma_start3A_23 = arith.constant 0 : i32
        %dma_start3A_24 = tpu.memref_slice %arg14[%dma_start3A, %dma_start3A_23] : memref<10008x128xf32, #tpu.memory_space<vmem_shared>> -> memref<24x128xf32, #tpu.memory_space<vmem_shared>>
        %dma_start3A_25 = arith.constant 0 : i32
        %dma_start3A_26 = arith.constant 0 : i32
        %dma_start3A_27 = tpu.memref_slice %arg5[%dma_start3A_25, %dma_start3A_26] : memref<624x128xf32, #tpu.memory_space<hbm>> -> memref<24x128xf32, #tpu.memory_space<hbm>>
        tpu.enqueue_dma source(%dma_start3A_27 : memref<24x128xf32, #tpu.memory_space<hbm>>) target(%dma_start3A_24 : memref<24x128xf32, #tpu.memory_space<vmem_shared>>) target_semaphore(%run_scoped3A : memref<!tpu.dma_semaphore, #tpu.memory_space<semaphore_mem>>)
        %dma_wait3A = arith.constant 9984 : i32
        %dma_wait3A_28 = arith.constant 0 : i32
        %dma_wait3A_29 = tpu.memref_slice %arg14[%dma_wait3A, %dma_wait3A_28] : memref<10008x128xf32, #tpu.memory_space<vmem_shared>> -> memref<24x128xf32, #tpu.memory_space<vmem_shared>>
        %dma_wait3A_30 = arith.constant 0 : i32
        %dma_wait3A_31 = arith.constant 0 : i32
        %dma_wait3A_32 = tpu.memref_slice %arg5[%dma_wait3A_30, %dma_wait3A_31] : memref<624x128xf32, #tpu.memory_space<hbm>> -> memref<24x128xf32, #tpu.memory_space<hbm>>
        tpu.wait_dma2 semaphore(%run_scoped3A : memref<!tpu.dma_semaphore, #tpu.memory_space<semaphore_mem>>) src(%dma_wait3A_32 : memref<24x128xf32, #tpu.memory_space<hbm>>) dst(%dma_wait3A_29 : memref<24x128xf32, #tpu.memory_space<vmem_shared>>)
        tpu.yield
      }) : () -> ()
      "tpu.region"() ({
        %run_scoped3A = tpu.sem_alloc : memref<!tpu.dma_semaphore, #tpu.memory_space<semaphore_mem>>
        %dma_start3A = arith.constant 9984 : i32
        %dma_start3A_23 = arith.constant 0 : i32
        %dma_start3A_24 = tpu.memref_slice %arg15[%dma_start3A, %dma_start3A_23] : memref<10008x16xf32, #tpu.memory_space<vmem_shared>> -> memref<24x16xf32, #tpu.memory_space<vmem_shared>>
        %dma_start3A_25 = arith.constant 0 : i32
        %dma_start3A_26 = arith.constant 0 : i32
        %dma_start3A_27 = tpu.memref_slice %arg6[%dma_start3A_25, %dma_start3A_26] : memref<624x16xf32, #tpu.memory_space<hbm>> -> memref<24x16xf32, #tpu.memory_space<hbm>>
        tpu.enqueue_dma source(%dma_start3A_27 : memref<24x16xf32, #tpu.memory_space<hbm>>) target(%dma_start3A_24 : memref<24x16xf32, #tpu.memory_space<vmem_shared>>) target_semaphore(%run_scoped3A : memref<!tpu.dma_semaphore, #tpu.memory_space<semaphore_mem>>)
        %dma_wait3A = arith.constant 9984 : i32
        %dma_wait3A_28 = arith.constant 0 : i32
        %dma_wait3A_29 = tpu.memref_slice %arg15[%dma_wait3A, %dma_wait3A_28] : memref<10008x16xf32, #tpu.memory_space<vmem_shared>> -> memref<24x16xf32, #tpu.memory_space<vmem_shared>>
        %dma_wait3A_30 = arith.constant 0 : i32
        %dma_wait3A_31 = arith.constant 0 : i32
        %dma_wait3A_32 = tpu.memref_slice %arg6[%dma_wait3A_30, %dma_wait3A_31] : memref<624x16xf32, #tpu.memory_space<hbm>> -> memref<24x16xf32, #tpu.memory_space<hbm>>
        tpu.wait_dma2 semaphore(%run_scoped3A : memref<!tpu.dma_semaphore, #tpu.memory_space<semaphore_mem>>) src(%dma_wait3A_32 : memref<24x16xf32, #tpu.memory_space<hbm>>) dst(%dma_wait3A_29 : memref<24x16xf32, #tpu.memory_space<vmem_shared>>)
        tpu.yield
      }) : () -> ()
    } else {
    }
    %mul3A_5 = arith.constant 125 : i32
    %mul3A_6 = arith.muli %add3A, %mul3A_5 : i32
    "tpu.region"() ({
      %run_scoped3A = tpu.sem_alloc : memref<!tpu.dma_semaphore, #tpu.memory_space<semaphore_mem>>
      %dma_start3A = arith.constant 0 : i32
      %dma_start3A_23 = tpu.memref_slice %arg2[%mul3A_6, %dma_start3A] : memref<4000x80xi32, #tpu.memory_space<hbm>> -> memref<125x80xi32, #tpu.memory_space<hbm>>
      %dma_start3A_24 = arith.constant 0 : i32
      %dma_start3A_25 = tpu.memref_slice %arg2[%mul3A_6, %dma_start3A_24] : memref<4000x80xi32, #tpu.memory_space<hbm>> -> memref<125x80xi32, #tpu.memory_space<hbm>>
      tpu.enqueue_dma source(%dma_start3A_25 : memref<125x80xi32, #tpu.memory_space<hbm>>) target(%arg10 : memref<125x80xi32, #tpu.memory_space<vmem>>) target_semaphore(%run_scoped3A : memref<!tpu.dma_semaphore, #tpu.memory_space<semaphore_mem>>)
      %dma_wait3A = arith.constant 0 : i32
      %dma_wait3A_26 = tpu.memref_slice %arg2[%mul3A_6, %dma_wait3A] : memref<4000x80xi32, #tpu.memory_space<hbm>> -> memref<125x80xi32, #tpu.memory_space<hbm>>
      %dma_wait3A_27 = arith.constant 0 : i32
      %dma_wait3A_28 = tpu.memref_slice %arg2[%mul3A_6, %dma_wait3A_27] : memref<4000x80xi32, #tpu.memory_space<hbm>> -> memref<125x80xi32, #tpu.memory_space<hbm>>
      tpu.wait_dma2 semaphore(%run_scoped3A : memref<!tpu.dma_semaphore, #tpu.memory_space<semaphore_mem>>) src(%dma_wait3A_28 : memref<125x80xi32, #tpu.memory_space<hbm>>) dst(%arg10 : memref<125x80xi32, #tpu.memory_space<vmem>>)
      tpu.yield
    }) : () -> ()
    %mul3A_7 = arith.constant 125 : i32
    %mul3A_8 = arith.muli %add3A, %mul3A_7 : i32
    "tpu.region"() ({
      %run_scoped3A = tpu.sem_alloc : memref<!tpu.dma_semaphore, #tpu.memory_space<semaphore_mem>>
      %dma_start3A = arith.constant 0 : i32
      %dma_start3A_23 = tpu.memref_slice %arg3[%mul3A_8, %dma_start3A] : memref<4000x80xi32, #tpu.memory_space<hbm>> -> memref<125x80xi32, #tpu.memory_space<hbm>>
      %dma_start3A_24 = arith.constant 0 : i32
      %dma_start3A_25 = tpu.memref_slice %arg3[%mul3A_8, %dma_start3A_24] : memref<4000x80xi32, #tpu.memory_space<hbm>> -> memref<125x80xi32, #tpu.memory_space<hbm>>
      tpu.enqueue_dma source(%dma_start3A_25 : memref<125x80xi32, #tpu.memory_space<hbm>>) target(%arg11 : memref<125x80xi32, #tpu.memory_space<vmem>>) target_semaphore(%run_scoped3A : memref<!tpu.dma_semaphore, #tpu.memory_space<semaphore_mem>>)
      %dma_wait3A = arith.constant 0 : i32
      %dma_wait3A_26 = tpu.memref_slice %arg3[%mul3A_8, %dma_wait3A] : memref<4000x80xi32, #tpu.memory_space<hbm>> -> memref<125x80xi32, #tpu.memory_space<hbm>>
      %dma_wait3A_27 = arith.constant 0 : i32
      %dma_wait3A_28 = tpu.memref_slice %arg3[%mul3A_8, %dma_wait3A_27] : memref<4000x80xi32, #tpu.memory_space<hbm>> -> memref<125x80xi32, #tpu.memory_space<hbm>>
      tpu.wait_dma2 semaphore(%run_scoped3A : memref<!tpu.dma_semaphore, #tpu.memory_space<semaphore_mem>>) src(%dma_wait3A_28 : memref<125x80xi32, #tpu.memory_space<hbm>>) dst(%arg11 : memref<125x80xi32, #tpu.memory_space<vmem>>)
      tpu.yield
    }) : () -> ()
    %barrier3A = arith.constant 0 : index
    tpu.barrier barrier_id(%barrier3A)
    %scan3A = arith.constant 0 : i32
    %scan3A_9 = arith.constant 0 : i32
    %scan3A_10 = arith.constant 125 : i32
    %scan3A_11 = arith.addi %scan3A_9, %scan3A_10 : i32
    %scan3A_12 = arith.constant 1 : i32
    scf.for %scan3A_23 = %scan3A_9 to %scan3A_11 step %scan3A_12  : i32 {
      %dma_start3A = arith.constant 0 : i32
      %dma_start3A_24 = tpu.memref_slice %arg10[%scan3A_23, %dma_start3A] : memref<125x80xi32, #tpu.memory_space<vmem>> -> memref<1x80xi32, #tpu.memory_space<vmem>>
      %dma_start3A_25 = tpu.memref_squeeze %dma_start3A_24 : memref<1x80xi32, #tpu.memory_space<vmem>> -> memref<80xi32, #tpu.memory_space<vmem>>
      %dma_start3A_26 = arith.constant 0 : i32
      %dma_start3A_27 = arith.constant 0 : i32
      %dma_start3A_28 = tpu.memref_slice %arg4[%dma_start3A_26, %dma_start3A_27] : memref<10000x128xf32, #tpu.memory_space<hbm>> -> memref<10000x128xf32, #tpu.memory_space<hbm>>
      tpu.enqueue_indirect_dma source(%dma_start3A_28 : memref<10000x128xf32, #tpu.memory_space<hbm>>) target(%arg12 : memref<80x128xf32, #tpu.memory_space<vmem>>) offsets(%dma_start3A_25 : memref<80xi32, #tpu.memory_space<vmem>>) semaphore(%arg16 : memref<!tpu.dma_semaphore, #tpu.memory_space<semaphore_mem>>)
      %dma_wait3A = arith.constant 0 : i32
      %dma_wait3A_29 = tpu.memref_slice %arg10[%scan3A_23, %dma_wait3A] : memref<125x80xi32, #tpu.memory_space<vmem>> -> memref<1x80xi32, #tpu.memory_space<vmem>>
      %dma_wait3A_30 = tpu.memref_squeeze %dma_wait3A_29 : memref<1x80xi32, #tpu.memory_space<vmem>> -> memref<80xi32, #tpu.memory_space<vmem>>
      %dma_wait3A_31 = arith.constant 0 : i32
      %dma_wait3A_32 = arith.constant 0 : i32
      %dma_wait3A_33 = tpu.memref_slice %arg4[%dma_wait3A_31, %dma_wait3A_32] : memref<10000x128xf32, #tpu.memory_space<hbm>> -> memref<10000x128xf32, #tpu.memory_space<hbm>>
      tpu.wait_indirect_dma semaphore(%arg16 : memref<!tpu.dma_semaphore, #tpu.memory_space<semaphore_mem>>) src(%dma_wait3A_33 : memref<10000x128xf32, #tpu.memory_space<hbm>>) dst(%arg12 : memref<80x128xf32, #tpu.memory_space<vmem>>)
      "tpu.region"() ({
        %run_scoped3A = tpu.sem_alloc : memref<!tpu.dma_semaphore, #tpu.memory_space<semaphore_mem>>
        %dma_start3A_34 = arith.constant 0 : i32
        %dma_start3A_35 = tpu.memref_slice %arg11[%scan3A_23, %dma_start3A_34] : memref<125x80xi32, #tpu.memory_space<vmem>> -> memref<1x80xi32, #tpu.memory_space<vmem>>
        %dma_start3A_36 = tpu.memref_squeeze %dma_start3A_35 : memref<1x80xi32, #tpu.memory_space<vmem>> -> memref<80xi32, #tpu.memory_space<vmem>>
        %dma_start3A_37 = arith.constant 0 : i32
        %dma_start3A_38 = arith.constant 0 : i32
        %dma_start3A_39 = tpu.memref_slice %arg14[%dma_start3A_37, %dma_start3A_38] : memref<10008x128xf32, #tpu.memory_space<vmem_shared>> -> memref<10008x128xf32, #tpu.memory_space<vmem_shared>>
        tpu.enqueue_indirect_dma source(%arg12 : memref<80x128xf32, #tpu.memory_space<vmem>>) target(%dma_start3A_39 : memref<10008x128xf32, #tpu.memory_space<vmem_shared>>) offsets(%dma_start3A_36 : memref<80xi32, #tpu.memory_space<vmem>>) semaphore(%run_scoped3A : memref<!tpu.dma_semaphore, #tpu.memory_space<semaphore_mem>>) {add = true}
        %dma_wait3A_40 = arith.constant 0 : i32
        %dma_wait3A_41 = tpu.memref_slice %arg11[%scan3A_23, %dma_wait3A_40] : memref<125x80xi32, #tpu.memory_space<vmem>> -> memref<1x80xi32, #tpu.memory_space<vmem>>
        %dma_wait3A_42 = tpu.memref_squeeze %dma_wait3A_41 : memref<1x80xi32, #tpu.memory_space<vmem>> -> memref<80xi32, #tpu.memory_space<vmem>>
        %dma_wait3A_43 = arith.constant 0 : i32
        %dma_wait3A_44 = arith.constant 0 : i32
        %dma_wait3A_45 = tpu.memref_slice %arg14[%dma_wait3A_43, %dma_wait3A_44] : memref<10008x128xf32, #tpu.memory_space<vmem_shared>> -> memref<10008x128xf32, #tpu.memory_space<vmem_shared>>
        tpu.wait_indirect_dma semaphore(%run_scoped3A : memref<!tpu.dma_semaphore, #tpu.memory_space<semaphore_mem>>) src(%arg12 : memref<80x128xf32, #tpu.memory_space<vmem>>) dst(%dma_wait3A_45 : memref<10008x128xf32, #tpu.memory_space<vmem_shared>>)
        tpu.yield
      }) : () -> ()
      "tpu.region"() ({
        %run_scoped3A = tpu.sem_alloc : memref<!tpu.dma_semaphore, #tpu.memory_space<semaphore_mem>>
        %dma_start3A_34 = arith.constant 0 : i32
        %dma_start3A_35 = tpu.memref_slice %arg11[%scan3A_23, %dma_start3A_34] : memref<125x80xi32, #tpu.memory_space<vmem>> -> memref<1x80xi32, #tpu.memory_space<vmem>>
        %dma_start3A_36 = tpu.memref_squeeze %dma_start3A_35 : memref<1x80xi32, #tpu.memory_space<vmem>> -> memref<80xi32, #tpu.memory_space<vmem>>
        %dma_start3A_37 = arith.constant 0 : i32
        %dma_start3A_38 = arith.constant 0 : i32
        %dma_start3A_39 = tpu.memref_slice %arg15[%dma_start3A_37, %dma_start3A_38] : memref<10008x16xf32, #tpu.memory_space<vmem_shared>> -> memref<10008x16xf32, #tpu.memory_space<vmem_shared>>
        tpu.enqueue_indirect_dma source(%arg13 : memref<80x16xf32, #tpu.memory_space<vmem>>) target(%dma_start3A_39 : memref<10008x16xf32, #tpu.memory_space<vmem_shared>>) offsets(%dma_start3A_36 : memref<80xi32, #tpu.memory_space<vmem>>) semaphore(%run_scoped3A : memref<!tpu.dma_semaphore, #tpu.memory_space<semaphore_mem>>) {add = true}
        %dma_wait3A_40 = arith.constant 0 : i32
        %dma_wait3A_41 = tpu.memref_slice %arg11[%scan3A_23, %dma_wait3A_40] : memref<125x80xi32, #tpu.memory_space<vmem>> -> memref<1x80xi32, #tpu.memory_space<vmem>>
        %dma_wait3A_42 = tpu.memref_squeeze %dma_wait3A_41 : memref<1x80xi32, #tpu.memory_space<vmem>> -> memref<80xi32, #tpu.memory_space<vmem>>
        %dma_wait3A_43 = arith.constant 0 : i32
        %dma_wait3A_44 = arith.constant 0 : i32
        %dma_wait3A_45 = tpu.memref_slice %arg15[%dma_wait3A_43, %dma_wait3A_44] : memref<10008x16xf32, #tpu.memory_space<vmem_shared>> -> memref<10008x16xf32, #tpu.memory_space<vmem_shared>>
        tpu.wait_indirect_dma semaphore(%run_scoped3A : memref<!tpu.dma_semaphore, #tpu.memory_space<semaphore_mem>>) src(%arg13 : memref<80x16xf32, #tpu.memory_space<vmem>>) dst(%dma_wait3A_45 : memref<10008x16xf32, #tpu.memory_space<vmem_shared>>)
        tpu.yield
      }) : () -> ()
    }
    %scan3A_13 = arith.constant 125 : i32
    %barrier3A_14 = arith.constant 0 : index
    tpu.barrier barrier_id(%barrier3A_14)
    %mul3A_15 = arith.constant 10000 : i32
    %mul3A_16 = arith.muli %arg0, %mul3A_15 : i32
    %add3A_17 = arith.addi %mul3A_16, %mul3A_2 : i32
    "tpu.region"() ({
      %run_scoped3A = tpu.sem_alloc : memref<!tpu.dma_semaphore, #tpu.memory_space<semaphore_mem>>
      %dma_start3A = arith.constant 0 : i32
      %dma_start3A_23 = tpu.memref_slice %arg8[%add3A_17, %dma_start3A] : memref<20000x128xf32, #tpu.memory_space<hbm>> -> memref<624x128xf32, #tpu.memory_space<hbm>>
      %dma_start3A_24 = arith.constant 0 : i32
      %dma_start3A_25 = tpu.memref_slice %arg14[%mul3A_2, %dma_start3A_24] : memref<10008x128xf32, #tpu.memory_space<vmem_shared>> -> memref<624x128xf32, #tpu.memory_space<vmem_shared>>
      tpu.enqueue_dma source(%dma_start3A_25 : memref<624x128xf32, #tpu.memory_space<vmem_shared>>) target(%dma_start3A_23 : memref<624x128xf32, #tpu.memory_space<hbm>>) target_semaphore(%run_scoped3A : memref<!tpu.dma_semaphore, #tpu.memory_space<semaphore_mem>>)
      %dma_wait3A = arith.constant 0 : i32
      %dma_wait3A_26 = tpu.memref_slice %arg8[%add3A_17, %dma_wait3A] : memref<20000x128xf32, #tpu.memory_space<hbm>> -> memref<624x128xf32, #tpu.memory_space<hbm>>
      %dma_wait3A_27 = arith.constant 0 : i32
      %dma_wait3A_28 = tpu.memref_slice %arg14[%mul3A_2, %dma_wait3A_27] : memref<10008x128xf32, #tpu.memory_space<vmem_shared>> -> memref<624x128xf32, #tpu.memory_space<vmem_shared>>
      tpu.wait_dma2 semaphore(%run_scoped3A : memref<!tpu.dma_semaphore, #tpu.memory_space<semaphore_mem>>) src(%dma_wait3A_28 : memref<624x128xf32, #tpu.memory_space<vmem_shared>>) dst(%dma_wait3A_26 : memref<624x128xf32, #tpu.memory_space<hbm>>)
      tpu.yield
    }) : () -> ()
    "tpu.region"() ({
      %run_scoped3A = tpu.sem_alloc : memref<!tpu.dma_semaphore, #tpu.memory_space<semaphore_mem>>
      %dma_start3A = arith.constant 0 : i32
      %dma_start3A_23 = tpu.memref_slice %arg9[%add3A_17, %dma_start3A] : memref<20000x16xf32, #tpu.memory_space<hbm>> -> memref<624x16xf32, #tpu.memory_space<hbm>>
      %dma_start3A_24 = arith.constant 0 : i32
      %dma_start3A_25 = tpu.memref_slice %arg15[%mul3A_2, %dma_start3A_24] : memref<10008x16xf32, #tpu.memory_space<vmem_shared>> -> memref<624x16xf32, #tpu.memory_space<vmem_shared>>
      tpu.enqueue_dma source(%dma_start3A_25 : memref<624x16xf32, #tpu.memory_space<vmem_shared>>) target(%dma_start3A_23 : memref<624x16xf32, #tpu.memory_space<hbm>>) target_semaphore(%run_scoped3A : memref<!tpu.dma_semaphore, #tpu.memory_space<semaphore_mem>>)
      %dma_wait3A = arith.constant 0 : i32
      %dma_wait3A_26 = tpu.memref_slice %arg9[%add3A_17, %dma_wait3A] : memref<20000x16xf32, #tpu.memory_space<hbm>> -> memref<624x16xf32, #tpu.memory_space<hbm>>
      %dma_wait3A_27 = arith.constant 0 : i32
      %dma_wait3A_28 = tpu.memref_slice %arg15[%mul3A_2, %dma_wait3A_27] : memref<10008x16xf32, #tpu.memory_space<vmem_shared>> -> memref<624x16xf32, #tpu.memory_space<vmem_shared>>
      tpu.wait_dma2 semaphore(%run_scoped3A : memref<!tpu.dma_semaphore, #tpu.memory_space<semaphore_mem>>) src(%dma_wait3A_28 : memref<624x16xf32, #tpu.memory_space<vmem_shared>>) dst(%dma_wait3A_26 : memref<624x16xf32, #tpu.memory_space<hbm>>)
      tpu.yield
    }) : () -> ()
    %eq3A_18 = arith.constant 0 : i32
    %eq3A_19 = arith.cmpi eq, %arg1, %eq3A_18 : i32
    %convert_element_type3A_20 = arith.extui %eq3A_19 : i1 to i32
    %cond3A_21 = arith.constant 0 : i32
    %cond3A_22 = arith.cmpi ne, %convert_element_type3A_20, %cond3A_21 : i32
    scf.if %cond3A_22 {
      %mul3A_23 = arith.constant 10000 : i32
      %mul3A_24 = arith.muli %arg0, %mul3A_23 : i32
      %add3A_25 = arith.constant 9984 : i32
      %add3A_26 = arith.addi %mul3A_24, %add3A_25 : i32
      "tpu.region"() ({
        %run_scoped3A = tpu.sem_alloc : memref<!tpu.dma_semaphore, #tpu.memory_space<semaphore_mem>>
        %dma_start3A = arith.constant 0 : i32
        %dma_start3A_31 = tpu.memref_slice %arg8[%add3A_26, %dma_start3A] : memref<20000x128xf32, #tpu.memory_space<hbm>> -> memref<16x128xf32, #tpu.memory_space<hbm>>
        %dma_start3A_32 = arith.constant 9984 : i32
        %dma_start3A_33 = arith.constant 0 : i32
        %dma_start3A_34 = tpu.memref_slice %arg14[%dma_start3A_32, %dma_start3A_33] : memref<10008x128xf32, #tpu.memory_space<vmem_shared>> -> memref<16x128xf32, #tpu.memory_space<vmem_shared>>
        tpu.enqueue_dma source(%dma_start3A_34 : memref<16x128xf32, #tpu.memory_space<vmem_shared>>) target(%dma_start3A_31 : memref<16x128xf32, #tpu.memory_space<hbm>>) target_semaphore(%run_scoped3A : memref<!tpu.dma_semaphore, #tpu.memory_space<semaphore_mem>>)
        %dma_wait3A = arith.constant 0 : i32
        %dma_wait3A_35 = tpu.memref_slice %arg8[%add3A_26, %dma_wait3A] : memref<20000x128xf32, #tpu.memory_space<hbm>> -> memref<16x128xf32, #tpu.memory_space<hbm>>
        %dma_wait3A_36 = arith.constant 9984 : i32
        %dma_wait3A_37 = arith.constant 0 : i32
        %dma_wait3A_38 = tpu.memref_slice %arg14[%dma_wait3A_36, %dma_wait3A_37] : memref<10008x128xf32, #tpu.memory_space<vmem_shared>> -> memref<16x128xf32, #tpu.memory_space<vmem_shared>>
        tpu.wait_dma2 semaphore(%run_scoped3A : memref<!tpu.dma_semaphore, #tpu.memory_space<semaphore_mem>>) src(%dma_wait3A_38 : memref<16x128xf32, #tpu.memory_space<vmem_shared>>) dst(%dma_wait3A_35 : memref<16x128xf32, #tpu.memory_space<hbm>>)
        tpu.yield
      }) : () -> ()
      %mul3A_27 = arith.constant 10000 : i32
      %mul3A_28 = arith.muli %arg0, %mul3A_27 : i32
      %add3A_29 = arith.constant 9984 : i32
      %add3A_30 = arith.addi %mul3A_28, %add3A_29 : i32
      "tpu.region"() ({
        %run_scoped3A = tpu.sem_alloc : memref<!tpu.dma_semaphore, #tpu.memory_space<semaphore_mem>>
        %dma_start3A = arith.constant 0 : i32
        %dma_start3A_31 = tpu.memref_slice %arg9[%add3A_30, %dma_start3A] : memref<20000x16xf32, #tpu.memory_space<hbm>> -> memref<16x16xf32, #tpu.memory_space<hbm>>
        %dma_start3A_32 = arith.constant 9984 : i32
        %dma_start3A_33 = arith.constant 0 : i32
        %dma_start3A_34 = tpu.memref_slice %arg15[%dma_start3A_32, %dma_start3A_33] : memref<10008x16xf32, #tpu.memory_space<vmem_shared>> -> memref<16x16xf32, #tpu.memory_space<vmem_shared>>
        tpu.enqueue_dma source(%dma_start3A_34 : memref<16x16xf32, #tpu.memory_space<vmem_shared>>) target(%dma_start3A_31 : memref<16x16xf32, #tpu.memory_space<hbm>>) target_semaphore(%run_scoped3A : memref<!tpu.dma_semaphore, #tpu.memory_space<semaphore_mem>>)
        %dma_wait3A = arith.constant 0 : i32
        %dma_wait3A_35 = tpu.memref_slice %arg9[%add3A_30, %dma_wait3A] : memref<20000x16xf32, #tpu.memory_space<hbm>> -> memref<16x16xf32, #tpu.memory_space<hbm>>
        %dma_wait3A_36 = arith.constant 9984 : i32
        %dma_wait3A_37 = arith.constant 0 : i32
        %dma_wait3A_38 = tpu.memref_slice %arg15[%dma_wait3A_36, %dma_wait3A_37] : memref<10008x16xf32, #tpu.memory_space<vmem_shared>> -> memref<16x16xf32, #tpu.memory_space<vmem_shared>>
        tpu.wait_dma2 semaphore(%run_scoped3A : memref<!tpu.dma_semaphore, #tpu.memory_space<semaphore_mem>>) src(%dma_wait3A_38 : memref<16x16xf32, #tpu.memory_space<vmem_shared>>) dst(%dma_wait3A_35 : memref<16x16xf32, #tpu.memory_space<hbm>>)
        tpu.yield
      }) : () -> ()
    } else {
    }
    return
  }
}

module attributes {stable_mosaic.version = 14 : i64} {
  func.func @_pre_body(%arg0: i32, %arg1: memref<2000x128xf32, #tpu.memory_space<vmem>>, %arg2: memref<128x128xf32, #tpu.memory_space<vmem>>, %arg3: memref<128x128xf32, #tpu.memory_space<vmem>>, %arg4: memref<2000x128xf32, #tpu.memory_space<vmem>>, %arg5: memref<2000x128xf32, #tpu.memory_space<vmem>>) attributes {dimension_semantics = [#tpu.dimension_semantics<arbitrary>], iteration_bounds = array<i64: 5>, scalar_prefetch = 0 : i64, scratch_operands = 0 : i64, tpu.core_type = #tpu.core_type<tc>, window_params = [{transform_indices = @transform_0, window_bounds = array<i64: 2000, 128>}, {pipeline_mode = #tpu.pipeline_mode<synchronous>, transform_indices = @transform_1, window_bounds = array<i64: 128, 128>}, {pipeline_mode = #tpu.pipeline_mode<synchronous>, transform_indices = @transform_2, window_bounds = array<i64: 128, 128>}, {transform_indices = @transform_3, window_bounds = array<i64: 2000, 128>}, {transform_indices = @transform_4, window_bounds = array<i64: 2000, 128>}]} {
    %get3A = arith.constant 0 : index
    %get3A_0 = arith.constant 0 : index
    %get3A_1 = vector.load %arg1[%get3A, %get3A_0] : memref<2000x128xf32, #tpu.memory_space<vmem>>, vector<2000x128xf32>
    %get3A_2 = arith.constant 0 : index
    %get3A_3 = arith.constant 0 : index
    %get3A_4 = vector.load %arg2[%get3A_2, %get3A_3] : memref<128x128xf32, #tpu.memory_space<vmem>>, vector<128x128xf32>
    %dot_general3A = arith.constant dense<0.000000e+00> : vector<2000x128xf32>
    %dot_general3A_5 = tpu.matmul %get3A_1, %get3A_4, %dot_general3A {dimension_numbers = #tpu.dot_dimension_numbers<[1], [1], [0], [0], [0, 0, 1, 0], [], []>, transpose_lhs_hint = false} : vector<2000x128xf32>, vector<128x128xf32>, vector<2000x128xf32> -> vector<2000x128xf32>
    %swap3A = arith.constant 0 : index
    %swap3A_6 = arith.constant 0 : index
    %swap3A_7 = vector.load %arg4[%swap3A, %swap3A_6] : memref<2000x128xf32, #tpu.memory_space<vmem>>, vector<2000x128xf32>
    tpu.vector_store %arg4[%swap3A, %swap3A_6], %dot_general3A_5 {strides = array<i32>} : memref<2000x128xf32, #tpu.memory_space<vmem>>, vector<2000x128xf32>,
    %get3A_8 = arith.constant 0 : index
    %get3A_9 = arith.constant 0 : index
    %get3A_10 = vector.load %arg3[%get3A_8, %get3A_9] : memref<128x128xf32, #tpu.memory_space<vmem>>, vector<128x128xf32>
    %dot_general3A_11 = arith.constant dense<0.000000e+00> : vector<2000x128xf32>
    %dot_general3A_12 = tpu.matmul %get3A_1, %get3A_10, %dot_general3A_11 {dimension_numbers = #tpu.dot_dimension_numbers<[1], [1], [0], [0], [0, 0, 1, 0], [], []>, transpose_lhs_hint = false} : vector<2000x128xf32>, vector<128x128xf32>, vector<2000x128xf32> -> vector<2000x128xf32>
    %swap3A_13 = arith.constant 0 : index
    %swap3A_14 = arith.constant 0 : index
    %swap3A_15 = vector.load %arg5[%swap3A_13, %swap3A_14] : memref<2000x128xf32, #tpu.memory_space<vmem>>, vector<2000x128xf32>
    tpu.vector_store %arg5[%swap3A_13, %swap3A_14], %dot_general3A_12 {strides = array<i32>} : memref<2000x128xf32, #tpu.memory_space<vmem>>, vector<2000x128xf32>,
    return
  }
  func.func @transform_0(%arg0: i32) -> (i32, i32) {
    %c0_i32 = arith.constant 0 : i32
    %c0_i32_0 = arith.constant 0 : i32
    return %arg0, %c0_i32 : i32, i32
  }
  func.func @transform_1(%arg0: i32) -> (i32, i32) {
    %c0_i32 = arith.constant 0 : i32
    %c0_i32_0 = arith.constant 0 : i32
    %c0_i32_1 = arith.constant 0 : i32
    return %c0_i32, %c0_i32_0 : i32, i32
  }
  func.func @transform_2(%arg0: i32) -> (i32, i32) {
    %c0_i32 = arith.constant 0 : i32
    %c0_i32_0 = arith.constant 0 : i32
    %c0_i32_1 = arith.constant 0 : i32
    return %c0_i32, %c0_i32_0 : i32, i32
  }
  func.func @transform_3(%arg0: i32) -> (i32, i32) {
    %c0_i32 = arith.constant 0 : i32
    %c0_i32_0 = arith.constant 0 : i32
    return %arg0, %c0_i32 : i32, i32
  }
  func.func @transform_4(%arg0: i32) -> (i32, i32) {
    %c0_i32 = arith.constant 0 : i32
    %c0_i32_0 = arith.constant 0 : i32
    return %arg0, %c0_i32 : i32, i32
  }
}

module attributes {stable_mosaic.version = 14 : i64} {
  func.func @_mid1_body(%arg0: i32, %arg1: memref<2000x128xf32, #tpu.memory_space<vmem>>, %arg2: memref<2000x128xf32, #tpu.memory_space<vmem>>, %arg3: memref<2000x16xf32, #tpu.memory_space<vmem>>, %arg4: memref<2000x16xf32, #tpu.memory_space<vmem>>, %arg5: memref<2000x128xf32, #tpu.memory_space<vmem>>, %arg6: memref<1x128xf32, #tpu.memory_space<vmem>>, %arg7: memref<128x128xf32, #tpu.memory_space<vmem>>, %arg8: memref<128x128xf32, #tpu.memory_space<vmem>>, %arg9: memref<2000x128xf32, #tpu.memory_space<vmem>>, %arg10: memref<2000x128xf32, #tpu.memory_space<vmem>>, %arg11: memref<2000x16xf32, #tpu.memory_space<vmem>>) attributes {dimension_semantics = [#tpu.dimension_semantics<arbitrary>], iteration_bounds = array<i64: 5>, scalar_prefetch = 0 : i64, scratch_operands = 0 : i64, tpu.core_type = #tpu.core_type<tc>, window_params = [{transform_indices = @transform_0, window_bounds = array<i64: 2000, 128>}, {transform_indices = @transform_1, window_bounds = array<i64: 2000, 128>}, {transform_indices = @transform_2, window_bounds = array<i64: 2000, 16>}, {transform_indices = @transform_3, window_bounds = array<i64: 2000, 16>}, {transform_indices = @transform_4, window_bounds = array<i64: 2000, 128>}, {pipeline_mode = #tpu.pipeline_mode<synchronous>, transform_indices = @transform_5, window_bounds = array<i64: 1, 128>}, {pipeline_mode = #tpu.pipeline_mode<synchronous>, transform_indices = @transform_6, window_bounds = array<i64: 128, 128>}, {pipeline_mode = #tpu.pipeline_mode<synchronous>, transform_indices = @transform_7, window_bounds = array<i64: 128, 128>}, {transform_indices = @transform_8, window_bounds = array<i64: 2000, 128>}, {transform_indices = @transform_9, window_bounds = array<i64: 2000, 128>}, {transform_indices = @transform_10, window_bounds = array<i64: 2000, 16>}]} {
    %get3A = arith.constant 0 : index
    %get3A_0 = arith.constant 0 : index
    %get3A_1 = vector.load %arg3[%get3A, %get3A_0] : memref<2000x16xf32, #tpu.memory_space<vmem>>, vector<2000x16xf32>
    %slice3A = vector.extract_strided_slice %get3A_1 {offsets = [0, 0], sizes = [2000, 1], strides = [1, 1]} : vector<2000x16xf32> to vector<2000x1xf32>
    %get3A_2 = arith.constant 0 : index
    %get3A_3 = arith.constant 0 : index
    %get3A_4 = vector.load %arg4[%get3A_2, %get3A_3] : memref<2000x16xf32, #tpu.memory_space<vmem>>, vector<2000x16xf32>
    %slice3A_5 = vector.extract_strided_slice %get3A_4 {offsets = [0, 0], sizes = [2000, 1], strides = [1, 1]} : vector<2000x16xf32> to vector<2000x1xf32>
    %add3A = arith.addf %slice3A, %slice3A_5 : vector<2000x1xf32>
    %max3A = arith.constant 1.000000e+00 : f32
    %max3A_6 = vector.broadcast %max3A : f32 to vector<2000x1xf32>
    %max3A_7 = arith.maximumf %add3A, %max3A_6 : vector<2000x1xf32>
    %div3A = arith.constant 1.000000e+00 : f32
    %div3A_8 = vector.broadcast %div3A : f32 to vector<2000x1xf32>
    %div3A_9 = arith.divf %div3A_8, %max3A_7 : vector<2000x1xf32>
    %get3A_10 = arith.constant 0 : index
    %get3A_11 = arith.constant 0 : index
    %get3A_12 = vector.load %arg1[%get3A_10, %get3A_11] : memref<2000x128xf32, #tpu.memory_space<vmem>>, vector<2000x128xf32>
    %get3A_13 = arith.constant 0 : index
    %get3A_14 = arith.constant 0 : index
    %get3A_15 = vector.load %arg2[%get3A_13, %get3A_14] : memref<2000x128xf32, #tpu.memory_space<vmem>>, vector<2000x128xf32>
    %add3A_16 = arith.addf %get3A_12, %get3A_15 : vector<2000x128xf32>
    %mul3A = vector.broadcast %div3A_9 : vector<2000x1xf32> to vector<2000x128xf32>
    %mul3A_17 = arith.mulf %add3A_16, %mul3A : vector<2000x128xf32>
    %get3A_18 = arith.constant 0 : index
    %get3A_19 = arith.constant 0 : index
    %get3A_20 = vector.load %arg6[%get3A_18, %get3A_19] : memref<1x128xf32, #tpu.memory_space<vmem>>, vector<1x128xf32>
    %add3A_21 = vector.broadcast %get3A_20 : vector<1x128xf32> to vector<2000x128xf32>
    %add3A_22 = arith.addf %mul3A_17, %add3A_21 : vector<2000x128xf32>
    %get3A_23 = arith.constant 0 : index
    %get3A_24 = arith.constant 0 : index
    %get3A_25 = vector.load %arg5[%get3A_23, %get3A_24] : memref<2000x128xf32, #tpu.memory_space<vmem>>, vector<2000x128xf32>
    %add3A_26 = arith.addf %add3A_22, %get3A_25 : vector<2000x128xf32>
    %max3A_27 = arith.constant 0.000000e+00 : f32
    %max3A_28 = vector.broadcast %max3A_27 : f32 to vector<2000x128xf32>
    %max3A_29 = arith.maximumf %add3A_26, %max3A_28 : vector<2000x128xf32>
    %get3A_30 = arith.constant 0 : index
    %get3A_31 = arith.constant 0 : index
    %get3A_32 = vector.load %arg7[%get3A_30, %get3A_31] : memref<128x128xf32, #tpu.memory_space<vmem>>, vector<128x128xf32>
    %dot_general3A = arith.constant dense<0.000000e+00> : vector<2000x128xf32>
    %dot_general3A_33 = tpu.matmul %max3A_29, %get3A_32, %dot_general3A {dimension_numbers = #tpu.dot_dimension_numbers<[1], [1], [0], [0], [0, 0, 1, 0], [], []>, transpose_lhs_hint = false} : vector<2000x128xf32>, vector<128x128xf32>, vector<2000x128xf32> -> vector<2000x128xf32>
    %swap3A = arith.constant 0 : index
    %swap3A_34 = arith.constant 0 : index
    %swap3A_35 = vector.load %arg9[%swap3A, %swap3A_34] : memref<2000x128xf32, #tpu.memory_space<vmem>>, vector<2000x128xf32>
    tpu.vector_store %arg9[%swap3A, %swap3A_34], %dot_general3A_33 {strides = array<i32>} : memref<2000x128xf32, #tpu.memory_space<vmem>>, vector<2000x128xf32>,
    %get3A_36 = arith.constant 0 : index
    %get3A_37 = arith.constant 0 : index
    %get3A_38 = vector.load %arg8[%get3A_36, %get3A_37] : memref<128x128xf32, #tpu.memory_space<vmem>>, vector<128x128xf32>
    %dot_general3A_39 = arith.constant dense<0.000000e+00> : vector<2000x128xf32>
    %dot_general3A_40 = tpu.matmul %max3A_29, %get3A_38, %dot_general3A_39 {dimension_numbers = #tpu.dot_dimension_numbers<[1], [1], [0], [0], [0, 0, 1, 0], [], []>, transpose_lhs_hint = false} : vector<2000x128xf32>, vector<128x128xf32>, vector<2000x128xf32> -> vector<2000x128xf32>
    %swap3A_41 = arith.constant 0 : index
    %swap3A_42 = arith.constant 0 : index
    %swap3A_43 = vector.load %arg10[%swap3A_41, %swap3A_42] : memref<2000x128xf32, #tpu.memory_space<vmem>>, vector<2000x128xf32>
    tpu.vector_store %arg10[%swap3A_41, %swap3A_42], %dot_general3A_40 {strides = array<i32>} : memref<2000x128xf32, #tpu.memory_space<vmem>>, vector<2000x128xf32>,
    %broadcast_in_dim3A = vector.shape_cast %div3A_9 : vector<2000x1xf32> to vector<2000x1xf32>
    %broadcast_in_dim3A_44 = vector.broadcast %broadcast_in_dim3A : vector<2000x1xf32> to vector<2000x16xf32>
    %swap3A_45 = arith.constant 0 : index
    %swap3A_46 = arith.constant 0 : index
    %swap3A_47 = vector.load %arg11[%swap3A_45, %swap3A_46] : memref<2000x16xf32, #tpu.memory_space<vmem>>, vector<2000x16xf32>
    tpu.vector_store %arg11[%swap3A_45, %swap3A_46], %broadcast_in_dim3A_44 {strides = array<i32>} : memref<2000x16xf32, #tpu.memory_space<vmem>>, vector<2000x16xf32>,
    return
  }
  func.func @transform_0(%arg0: i32) -> (i32, i32) {
    %c0_i32 = arith.constant 0 : i32
    %c0_i32_0 = arith.constant 0 : i32
    return %arg0, %c0_i32 : i32, i32
  }
  func.func @transform_1(%arg0: i32) -> (i32, i32) {
    %add3A = arith.constant 5 : i32
    %add3A_0 = arith.addi %arg0, %add3A : i32
    %c0_i32 = arith.constant 0 : i32
    %c0_i32_1 = arith.constant 0 : i32
    return %add3A_0, %c0_i32 : i32, i32
  }
  func.func @transform_2(%arg0: i32) -> (i32, i32) {
    %c0_i32 = arith.constant 0 : i32
    %c0_i32_0 = arith.constant 0 : i32
    return %arg0, %c0_i32 : i32, i32
  }
  func.func @transform_3(%arg0: i32) -> (i32, i32) {
    %add3A = arith.constant 5 : i32
    %add3A_0 = arith.addi %arg0, %add3A : i32
    %c0_i32 = arith.constant 0 : i32
    %c0_i32_1 = arith.constant 0 : i32
    return %add3A_0, %c0_i32 : i32, i32
  }
  func.func @transform_4(%arg0: i32) -> (i32, i32) {
    %c0_i32 = arith.constant 0 : i32
    %c0_i32_0 = arith.constant 0 : i32
    return %arg0, %c0_i32 : i32, i32
  }
  func.func @transform_5(%arg0: i32) -> (i32, i32) {
    %c0_i32 = arith.constant 0 : i32
    %c0_i32_0 = arith.constant 0 : i32
    %c0_i32_1 = arith.constant 0 : i32
    return %c0_i32, %c0_i32_0 : i32, i32
  }
  func.func @transform_6(%arg0: i32) -> (i32, i32) {
    %c0_i32 = arith.constant 0 : i32
    %c0_i32_0 = arith.constant 0 : i32
    %c0_i32_1 = arith.constant 0 : i32
    return %c0_i32, %c0_i32_0 : i32, i32
  }
  func.func @transform_7(%arg0: i32) -> (i32, i32) {
    %c0_i32 = arith.constant 0 : i32
    %c0_i32_0 = arith.constant 0 : i32
    %c0_i32_1 = arith.constant 0 : i32
    return %c0_i32, %c0_i32_0 : i32, i32
  }
  func.func @transform_8(%arg0: i32) -> (i32, i32) {
    %c0_i32 = arith.constant 0 : i32
    %c0_i32_0 = arith.constant 0 : i32
    return %arg0, %c0_i32 : i32, i32
  }
  func.func @transform_9(%arg0: i32) -> (i32, i32) {
    %c0_i32 = arith.constant 0 : i32
    %c0_i32_0 = arith.constant 0 : i32
    return %arg0, %c0_i32 : i32, i32
  }
  func.func @transform_10(%arg0: i32) -> (i32, i32) {
    %c0_i32 = arith.constant 0 : i32
    %c0_i32_0 = arith.constant 0 : i32
    return %arg0, %c0_i32 : i32, i32
  }
}

module attributes {stable_mosaic.version = 14 : i64} {
  func.func @_mid2_body(%arg0: i32, %arg1: memref<2000x128xf32, #tpu.memory_space<vmem>>, %arg2: memref<2000x128xf32, #tpu.memory_space<vmem>>, %arg3: memref<2000x16xf32, #tpu.memory_space<vmem>>, %arg4: memref<2000x128xf32, #tpu.memory_space<vmem>>, %arg5: memref<1x128xf32, #tpu.memory_space<vmem>>, %arg6: memref<16x128xf32, #tpu.memory_space<vmem>>, %arg7: memref<16x128xf32, #tpu.memory_space<vmem>>, %arg8: memref<2000x16xf32, #tpu.memory_space<vmem>>, %arg9: memref<2000x16xf32, #tpu.memory_space<vmem>>) attributes {dimension_semantics = [#tpu.dimension_semantics<arbitrary>], iteration_bounds = array<i64: 5>, scalar_prefetch = 0 : i64, scratch_operands = 0 : i64, tpu.core_type = #tpu.core_type<tc>, window_params = [{transform_indices = @transform_0, window_bounds = array<i64: 2000, 128>}, {transform_indices = @transform_1, window_bounds = array<i64: 2000, 128>}, {transform_indices = @transform_2, window_bounds = array<i64: 2000, 16>}, {transform_indices = @transform_3, window_bounds = array<i64: 2000, 128>}, {pipeline_mode = #tpu.pipeline_mode<synchronous>, transform_indices = @transform_4, window_bounds = array<i64: 1, 128>}, {pipeline_mode = #tpu.pipeline_mode<synchronous>, transform_indices = @transform_5, window_bounds = array<i64: 16, 128>}, {pipeline_mode = #tpu.pipeline_mode<synchronous>, transform_indices = @transform_6, window_bounds = array<i64: 16, 128>}, {transform_indices = @transform_7, window_bounds = array<i64: 2000, 16>}, {transform_indices = @transform_8, window_bounds = array<i64: 2000, 16>}]} {
    %get3A = arith.constant 0 : index
    %get3A_0 = arith.constant 0 : index
    %get3A_1 = vector.load %arg3[%get3A, %get3A_0] : memref<2000x16xf32, #tpu.memory_space<vmem>>, vector<2000x16xf32>
    %slice3A = vector.extract_strided_slice %get3A_1 {offsets = [0, 0], sizes = [2000, 1], strides = [1, 1]} : vector<2000x16xf32> to vector<2000x1xf32>
    %get3A_2 = arith.constant 0 : index
    %get3A_3 = arith.constant 0 : index
    %get3A_4 = vector.load %arg1[%get3A_2, %get3A_3] : memref<2000x128xf32, #tpu.memory_space<vmem>>, vector<2000x128xf32>
    %get3A_5 = arith.constant 0 : index
    %get3A_6 = arith.constant 0 : index
    %get3A_7 = vector.load %arg2[%get3A_5, %get3A_6] : memref<2000x128xf32, #tpu.memory_space<vmem>>, vector<2000x128xf32>
    %add3A = arith.addf %get3A_4, %get3A_7 : vector<2000x128xf32>
    %mul3A = vector.broadcast %slice3A : vector<2000x1xf32> to vector<2000x128xf32>
    %mul3A_8 = arith.mulf %add3A, %mul3A : vector<2000x128xf32>
    %get3A_9 = arith.constant 0 : index
    %get3A_10 = arith.constant 0 : index
    %get3A_11 = vector.load %arg5[%get3A_9, %get3A_10] : memref<1x128xf32, #tpu.memory_space<vmem>>, vector<1x128xf32>
    %add3A_12 = vector.broadcast %get3A_11 : vector<1x128xf32> to vector<2000x128xf32>
    %add3A_13 = arith.addf %mul3A_8, %add3A_12 : vector<2000x128xf32>
    %get3A_14 = arith.constant 0 : index
    %get3A_15 = arith.constant 0 : index
    %get3A_16 = vector.load %arg4[%get3A_14, %get3A_15] : memref<2000x128xf32, #tpu.memory_space<vmem>>, vector<2000x128xf32>
    %add3A_17 = arith.addf %add3A_13, %get3A_16 : vector<2000x128xf32>
    %max3A = arith.constant 0.000000e+00 : f32
    %max3A_18 = vector.broadcast %max3A : f32 to vector<2000x128xf32>
    %max3A_19 = arith.maximumf %add3A_17, %max3A_18 : vector<2000x128xf32>
    %get3A_20 = arith.constant 0 : index
    %get3A_21 = arith.constant 0 : index
    %get3A_22 = vector.load %arg6[%get3A_20, %get3A_21] : memref<16x128xf32, #tpu.memory_space<vmem>>, vector<16x128xf32>
    %dot_general3A = arith.constant dense<0.000000e+00> : vector<2000x16xf32>
    %dot_general3A_23 = tpu.matmul %max3A_19, %get3A_22, %dot_general3A {dimension_numbers = #tpu.dot_dimension_numbers<[1], [1], [0], [0], [0, 0, 1, 0], [], []>, transpose_lhs_hint = false} : vector<2000x128xf32>, vector<16x128xf32>, vector<2000x16xf32> -> vector<2000x16xf32>
    %swap3A = arith.constant 0 : index
    %swap3A_24 = arith.constant 0 : index
    %swap3A_25 = vector.load %arg8[%swap3A, %swap3A_24] : memref<2000x16xf32, #tpu.memory_space<vmem>>, vector<2000x16xf32>
    tpu.vector_store %arg8[%swap3A, %swap3A_24], %dot_general3A_23 {strides = array<i32>} : memref<2000x16xf32, #tpu.memory_space<vmem>>, vector<2000x16xf32>,
    %get3A_26 = arith.constant 0 : index
    %get3A_27 = arith.constant 0 : index
    %get3A_28 = vector.load %arg7[%get3A_26, %get3A_27] : memref<16x128xf32, #tpu.memory_space<vmem>>, vector<16x128xf32>
    %dot_general3A_29 = arith.constant dense<0.000000e+00> : vector<2000x16xf32>
    %dot_general3A_30 = tpu.matmul %max3A_19, %get3A_28, %dot_general3A_29 {dimension_numbers = #tpu.dot_dimension_numbers<[1], [1], [0], [0], [0, 0, 1, 0], [], []>, transpose_lhs_hint = false} : vector<2000x128xf32>, vector<16x128xf32>, vector<2000x16xf32> -> vector<2000x16xf32>
    %swap3A_31 = arith.constant 0 : index
    %swap3A_32 = arith.constant 0 : index
    %swap3A_33 = vector.load %arg9[%swap3A_31, %swap3A_32] : memref<2000x16xf32, #tpu.memory_space<vmem>>, vector<2000x16xf32>
    tpu.vector_store %arg9[%swap3A_31, %swap3A_32], %dot_general3A_30 {strides = array<i32>} : memref<2000x16xf32, #tpu.memory_space<vmem>>, vector<2000x16xf32>,
    return
  }
  func.func @transform_0(%arg0: i32) -> (i32, i32) {
    %c0_i32 = arith.constant 0 : i32
    %c0_i32_0 = arith.constant 0 : i32
    return %arg0, %c0_i32 : i32, i32
  }
  func.func @transform_1(%arg0: i32) -> (i32, i32) {
    %add3A = arith.constant 5 : i32
    %add3A_0 = arith.addi %arg0, %add3A : i32
    %c0_i32 = arith.constant 0 : i32
    %c0_i32_1 = arith.constant 0 : i32
    return %add3A_0, %c0_i32 : i32, i32
  }
  func.func @transform_2(%arg0: i32) -> (i32, i32) {
    %c0_i32 = arith.constant 0 : i32
    %c0_i32_0 = arith.constant 0 : i32
    return %arg0, %c0_i32 : i32, i32
  }
  func.func @transform_3(%arg0: i32) -> (i32, i32) {
    %c0_i32 = arith.constant 0 : i32
    %c0_i32_0 = arith.constant 0 : i32
    return %arg0, %c0_i32 : i32, i32
  }
  func.func @transform_4(%arg0: i32) -> (i32, i32) {
    %c0_i32 = arith.constant 0 : i32
    %c0_i32_0 = arith.constant 0 : i32
    %c0_i32_1 = arith.constant 0 : i32
    return %c0_i32, %c0_i32_0 : i32, i32
  }
  func.func @transform_5(%arg0: i32) -> (i32, i32) {
    %c0_i32 = arith.constant 0 : i32
    %c0_i32_0 = arith.constant 0 : i32
    %c0_i32_1 = arith.constant 0 : i32
    return %c0_i32, %c0_i32_0 : i32, i32
  }
  func.func @transform_6(%arg0: i32) -> (i32, i32) {
    %c0_i32 = arith.constant 0 : i32
    %c0_i32_0 = arith.constant 0 : i32
    %c0_i32_1 = arith.constant 0 : i32
    return %c0_i32, %c0_i32_0 : i32, i32
  }
  func.func @transform_7(%arg0: i32) -> (i32, i32) {
    %c0_i32 = arith.constant 0 : i32
    %c0_i32_0 = arith.constant 0 : i32
    return %arg0, %c0_i32 : i32, i32
  }
  func.func @transform_8(%arg0: i32) -> (i32, i32) {
    %c0_i32 = arith.constant 0 : i32
    %c0_i32_0 = arith.constant 0 : i32
    return %arg0, %c0_i32 : i32, i32
  }
}

module attributes {stable_mosaic.version = 14 : i64} {
  func.func @_final_body(%arg0: i32, %arg1: memref<2000x16xf32, #tpu.memory_space<vmem>>, %arg2: memref<2000x16xf32, #tpu.memory_space<vmem>>, %arg3: memref<2000x16xf32, #tpu.memory_space<vmem>>, %arg4: memref<2000x16xf32, #tpu.memory_space<vmem>>, %arg5: memref<1x16xf32, #tpu.memory_space<vmem>>, %arg6: memref<2000x16xf32, #tpu.memory_space<vmem>>) attributes {dimension_semantics = [#tpu.dimension_semantics<arbitrary>], iteration_bounds = array<i64: 5>, scalar_prefetch = 0 : i64, scratch_operands = 0 : i64, tpu.core_type = #tpu.core_type<tc>, window_params = [{transform_indices = @transform_0, window_bounds = array<i64: 2000, 16>}, {transform_indices = @transform_1, window_bounds = array<i64: 2000, 16>}, {transform_indices = @transform_2, window_bounds = array<i64: 2000, 16>}, {transform_indices = @transform_3, window_bounds = array<i64: 2000, 16>}, {pipeline_mode = #tpu.pipeline_mode<synchronous>, transform_indices = @transform_4, window_bounds = array<i64: 1, 16>}, {transform_indices = @transform_5, window_bounds = array<i64: 2000, 16>}]} {
    %get3A = arith.constant 0 : index
    %get3A_0 = arith.constant 0 : index
    %get3A_1 = vector.load %arg3[%get3A, %get3A_0] : memref<2000x16xf32, #tpu.memory_space<vmem>>, vector<2000x16xf32>
    %slice3A = vector.extract_strided_slice %get3A_1 {offsets = [0, 0], sizes = [2000, 1], strides = [1, 1]} : vector<2000x16xf32> to vector<2000x1xf32>
    %get3A_2 = arith.constant 0 : index
    %get3A_3 = arith.constant 0 : index
    %get3A_4 = vector.load %arg1[%get3A_2, %get3A_3] : memref<2000x16xf32, #tpu.memory_space<vmem>>, vector<2000x16xf32>
    %get3A_5 = arith.constant 0 : index
    %get3A_6 = arith.constant 0 : index
    %get3A_7 = vector.load %arg2[%get3A_5, %get3A_6] : memref<2000x16xf32, #tpu.memory_space<vmem>>, vector<2000x16xf32>
    %add3A = arith.addf %get3A_4, %get3A_7 : vector<2000x16xf32>
    %mul3A = vector.broadcast %slice3A : vector<2000x1xf32> to vector<2000x16xf32>
    %mul3A_8 = arith.mulf %add3A, %mul3A : vector<2000x16xf32>
    %get3A_9 = arith.constant 0 : index
    %get3A_10 = arith.constant 0 : index
    %get3A_11 = vector.load %arg5[%get3A_9, %get3A_10] : memref<1x16xf32, #tpu.memory_space<vmem>>, vector<1x16xf32>
    %add3A_12 = vector.broadcast %get3A_11 : vector<1x16xf32> to vector<2000x16xf32>
    %add3A_13 = arith.addf %mul3A_8, %add3A_12 : vector<2000x16xf32>
    %get3A_14 = arith.constant 0 : index
    %get3A_15 = arith.constant 0 : index
    %get3A_16 = vector.load %arg4[%get3A_14, %get3A_15] : memref<2000x16xf32, #tpu.memory_space<vmem>>, vector<2000x16xf32>
    %add3A_17 = arith.addf %add3A_13, %get3A_16 : vector<2000x16xf32>
    %swap3A = arith.constant 0 : index
    %swap3A_18 = arith.constant 0 : index
    %swap3A_19 = vector.load %arg6[%swap3A, %swap3A_18] : memref<2000x16xf32, #tpu.memory_space<vmem>>, vector<2000x16xf32>
    tpu.vector_store %arg6[%swap3A, %swap3A_18], %add3A_17 {strides = array<i32>} : memref<2000x16xf32, #tpu.memory_space<vmem>>, vector<2000x16xf32>,
    return
  }
  func.func @transform_0(%arg0: i32) -> (i32, i32) {
    %c0_i32 = arith.constant 0 : i32
    %c0_i32_0 = arith.constant 0 : i32
    return %arg0, %c0_i32 : i32, i32
  }
  func.func @transform_1(%arg0: i32) -> (i32, i32) {
    %add3A = arith.constant 5 : i32
    %add3A_0 = arith.addi %arg0, %add3A : i32
    %c0_i32 = arith.constant 0 : i32
    %c0_i32_1 = arith.constant 0 : i32
    return %add3A_0, %c0_i32 : i32, i32
  }
  func.func @transform_2(%arg0: i32) -> (i32, i32) {
    %c0_i32 = arith.constant 0 : i32
    %c0_i32_0 = arith.constant 0 : i32
    return %arg0, %c0_i32 : i32, i32
  }
  func.func @transform_3(%arg0: i32) -> (i32, i32) {
    %c0_i32 = arith.constant 0 : i32
    %c0_i32_0 = arith.constant 0 : i32
    return %arg0, %c0_i32 : i32, i32
  }
  func.func @transform_4(%arg0: i32) -> (i32, i32) {
    %c0_i32 = arith.constant 0 : i32
    %c0_i32_0 = arith.constant 0 : i32
    %c0_i32_1 = arith.constant 0 : i32
    return %c0_i32, %c0_i32_0 : i32, i32
  }
  func.func @transform_5(%arg0: i32) -> (i32, i32) {
    %c0_i32 = arith.constant 0 : i32
    %c0_i32_0 = arith.constant 0 : i32
    return %arg0, %c0_i32 : i32, i32
  }
}

</mosaic_0001>

<sc_bundles>
// kernel: kernel.12.cloned.1.call-start
scs
__scs_entry_jumppad:
0x0: {  	(pc) =	sbr.rel $0x88, $3  }
0x1: {  	(tag) =	ssettag $0x0;
	lr =	simm.s32 $0x1  }
0x2: {  	[smem:$0x3F96] =	sst lr;
	_ =	strace $0xD0000000  }
0x3: {  	_ = 	snop  }
0x4: {  	_ = 	snop  }
0x5: {  	_ = 	snop  }
0x6: {  	_ = 	snop  }
0x7: {  	_ = 	snop  }
__scs_overlays_trampoline_lowered:
0x8: {  	[smem:$0x3FA5] =	sst s0  }
0x9: {  	[smem:$0x3FA6] =	sst s1  }
0xa: {  	[smem:$0x3FA7] =	sst s2  }
0xb: {  	[smem:$0x3FA8] =	sst s3  }
0xc: {  	[smem:$0x3FA9] =	sst s4  }
0xd: {  	[smem:$0x3FAA] =	sst s5  }
0xe: {  	[smem:$0x3FAB] =	sst s6  }
0xf: {  	[smem:$0x3FAC] =	sst s7  }
0x10: {  	[smem:$0x3FAD] =	sst s8  }
0x11: {  	[smem:$0x3FAE] =	sst s9;
	s0 =	simm.s32 @!p0 $0x0  }
0x12: {  	s1 =	sld [smem:$0x3F94];
	s0 =	simm.s32 @p0 $0x1  }
0x13: {  	[smem:$0x3FAF] =	sst s0;
	s0 =	simm.s32 @!p1 $0x0  }
0x14: {  	s2 =	sld [smem:$0x3F93];
	s0 =	simm.s32 @p1 $0x1  }
0x15: {  	[smem:$0x3FB0] =	sst s0;
	s0 =	simm.s32 @!p2 $0x0  }
0x16: {  	s3 =	sld [smem:$0x3FDB];
	s0 =	simm.s32 @p2 $0x1  }
0x17: {  	s4 =	simm.s32 $0x1BF5;
	[smem:$0x3FB2] =	sst s0  }
0x18: {  	s0 =	sld [smem:$0x3F95];
	_ =	swait.ge [sflag:s4], $0x0  }
0x19: {  	s7 =	sld [smem:$0x3F96]  }
0x1a: {  	s8 =	sadd.s32 $0xFFFFE003, lr  }
0x1b: {  	s9 =	sadd.s32 $0xFFFFFEF7, lr;
	s5 =	simm.s32 $0xFFFFFFFF;
	p2 =	slt.u32 s8, $0xFFFFF086  }
0x1c: {  	p1 =	slt.u32 s9, $0xF7A;
	s5 =	simm.s32 @!p2 $0x0  }
0x1d: {  	s5 =	simm.s32 @p1 $0x1;
	p0 =	seq.s32 s7, s2  }
0x1e: {  	s7 =	smul.u32 @!p0 $0xF7A, s2;
	p2 =	seq.s32 @!p0 s5, $0x0  }
0x1f: {  	s9 =	smul.u32 $0xF7A, s1;
	s8 =	simm.s32 @!p0 $0x1BF5;
	p2 =	por !p2, p0  }
0x20: {  	[sflag:s8] =	ssyncset.s32 @!p0 $0xFFFFF086;
	s6 =	sadd.s32 @!p0 s3, s7;
	s7 =	simm.s32 @!p0 $0x108  }
0x21: {  	s3 =	sadd.s32 s3, s9;
	s6 =	sadd.s32 @!p0 $0x88, s6;
	s7 =	simm.s32 @p2 $0x1082  }
0x22: {  	[simem:s7], [sflag:s8] =	dma.local @!p0 [hbm:s6], $0xF7A  }
0x23: {  	s9 =	sor.u32 $0xD0000000, s2;
	s6 =	simm.s32 $0x108;
	_ =	swait.ge @!p0 [sflag:s8], $0x0  }
0x24: {  	s3 =	sadd.s32 $0x88, s3;
	s6 =	simm.s32 @!p1 $0x1082;
	[sflag:s4] =	ssyncset.s32 $0xFFFFF086  }
0x25: {  	[simem:s6], [sflag:s4] =	dma.local [hbm:s3], $0xF7A  }
0x26: {  	[smem:$0x3F96] =	sst s1;
	(tag) =	ssettag s2;
	_ =	strace s9  }
0x27: {  	s1 =	sld [smem:$0x3FA6]  }
0x28: {  	s2 =	sld [smem:$0x3FA7]  }
0x29: {  	s4 =	sld [smem:$0x3FA9]  }
0x2a: {  	p0 =	seq.s32 s5, $0x0;
	s5 =	sld [smem:$0x3FAA]  }
0x2b: {  	s6 =	sld [smem:$0x3FAB]  }
0x2c: {  	s7 =	sld [smem:$0x3FAC]  }
0x2d: {  	s3 =	simm.s32 $0x108;
	s8 =	sld [smem:$0x3FAD]  }
0x2e: {  	s3 =	simm.s32 @!p0 $0x1082;
	s9 =	sld [smem:$0x3FAE]  }
0x2f: {  	lr =	sadd.s32 s0, s3;
	s0 =	sld [smem:$0x3FA5]  }
0x30: {  	s3 =	sld [smem:$0x3FA8]  }
0x31: {  	[smem:$0x3FB1] =	sst s10  }
0x32: {  	s10 =	sld [smem:$0x3FAF];
	_ =	sdelay $0x3  }
0x33: {  	p0 =	seq.s32 s10, $0x1;
	s10 =	sld [smem:$0x3FB1];
	_ =	sdelay $0x3  }
0x34: {  	[smem:$0x3FB1] =	sst s10  }
0x35: {  	s10 =	sld [smem:$0x3FB0];
	_ =	sdelay $0x3  }
0x36: {  	p1 =	seq.s32 s10, $0x1;
	s10 =	sld [smem:$0x3FB1];
	_ =	sdelay $0x3  }
0x37: {  	[smem:$0x3FB1] =	sst s10  }
0x38: {  	s10 =	sld [smem:$0x3FB2]  }
0x39: {  	_ = 	snop;
	(pc) =	sbr.ind lr, $3  }
0x3a: {  	_ = 	snop  }
0x3b: {  	_ = 	snop  }
0x3c: {  	p2 =	seq.s32 s10, $0x1;
	s10 =	sld [smem:$0x3FB1]  }
0x3d: {  	_ =	shalt  }
0x3e: {  	_ =	shalt  }
0x3f: {  	_ =	shalt  }
0x40: {  	_ =	shalt  }
0x41: {  	_ =	shalt  }
0x42: {  	_ =	shalt  }
0x43: {  	_ =	shalt  }
0x44: {  	_ =	shalt  }
0x45: {  	_ =	shalt  }
0x46: {  	_ =	shalt  }
0x47: {  	_ =	shalt  }
0x48: {  	_ =	shalt  }
0x49: {  	_ =	shalt  }
0x4a: {  	_ =	shalt  }
0x4b: {  	_ =	shalt  }
0x4c: {  	_ =	shalt  }
0x4d: {  	_ =	shalt  }
0x4e: {  	_ =	shalt  }
0x4f: {  	_ =	shalt  }
0x50: {  	_ =	shalt  }
0x51: {  	_ =	shalt  }
0x52: {  	_ =	shalt  }
0x53: {  	_ =	shalt  }
0x54: {  	_ =	shalt  }
0x55: {  	_ =	shalt  }
0x56: {  	_ =	shalt  }
0x57: {  	_ =	shalt  }
0x58: {  	_ =	shalt  }
0x59: {  	_ =	shalt  }
0x5a: {  	_ =	shalt  }
0x5b: {  	_ =	shalt  }
0x5c: {  	_ =	shalt  }
0x5d: {  	_ =	shalt  }
0x5e: {  	_ =	shalt  }
0x5f: {  	_ =	shalt  }
0x60: {  	_ =	shalt  }
0x61: {  	_ =	shalt  }
0x62: {  	_ =	shalt  }
0x63: {  	_ =	shalt  }
0x64: {  	_ =	shalt  }
0x65: {  	_ =	shalt  }
0x66: {  	_ =	shalt  }
0x67: {  	_ =	shalt  }
0x68: {  	_ =	shalt  }
0x69: {  	_ =	shalt  }
0x6a: {  	_ =	shalt  }
0x6b: {  	_ =	shalt  }
0x6c: {  	_ =	shalt  }
0x6d: {  	_ =	shalt  }
0x6e: {  	_ =	shalt  }
0x6f: {  	_ =	shalt  }
0x70: {  	_ =	shalt  }
0x71: {  	_ =	shalt  }
0x72: {  	_ =	shalt  }
0x73: {  	_ =	shalt  }
0x74: {  	_ =	shalt  }
0x75: {  	_ =	shalt  }
0x76: {  	_ =	shalt  }
0x77: {  	_ =	shalt  }
0x78: {  	_ =	shalt  }
0x79: {  	_ =	shalt  }
0x7a: {  	_ =	shalt  }
0x7b: {  	_ =	shalt  }
0x7c: {  	_ =	shalt  }
0x7d: {  	_ =	shalt  }
0x7e: {  	_ =	shalt  }
0x7f: {  	_ =	shalt  }
0x80: {  	_ =	shalt  }
0x81: {  	_ =	shalt  }
0x82: {  	_ =	shalt  }
0x83: {  	_ =	shalt  }
0x84: {  	_ =	shalt  }
0x85: {  	_ =	shalt  }
0x86: {  	_ =	shalt  }
0x87: {  	_ =	shalt  }
.Lfunc_end0:
.L_simem_size_0:
called_computation.1_lowered:
.L_overlay_start_0:
0x88: {  	s2 =	sld [smem:$0x3FD9]  }
0x89: {  	s3 =	sld [smem:$0x3FFE];
	_ =	sdelay $0x1  }
0x8a: {  	s1 =	srdreg.scid  }
0x8b: {  	s0 =	sand.u32 $0x1, s1  }
0x8c: {  	s16 =	sshll.u32 s0, $0xA;
	s2 =	sadd.s32 s3, s2  }
0x8d: {  	s2 =	sadd.s32 s2, s16  }
0x8e: {  	[smem:$0x3FBD] =	sst s2  }
0x8f: {  	_ = 	snop  }
0x90: {  	(tm) =	ssettm $0x1  }
0x91: {  	s17 =	sld [smem:$0x3FFB];
	_ =	sdelay $0x3  }
0x92: {  	_ =	strace s17  }
0x93: {  	s2 =	sld [smem:$0x3FFC];
	_ =	sdelay $0x3  }
0x94: {  	_ =	strace s2  }
0x95: {  	s2 =	sld [smem:$0x3FFD];
	_ =	sdelay $0x3  }
0x96: {  	_ =	strace s2  }
0x97: {  	_ =	strace $0x8FFFFFFF  }
0x98: {  	s18 =	sld [smem:$0x3FDB];
	_ =	sdelay $0x1  }
0x99: {  	s19 =	simm.s32 $_scs_section_size  }
0x9a: {  	s4 =	simm.s32 $_size__tile_overlayer_lowered;
	s5 =	simm.s32 $_tile_overlayer_lowered  }
0x9b: {  	s22 =	simm.s32 $0x1BFF;
	s21 =	sshll.u32 s5, $0x1;
	s2 =	sadd.s32 s19, s18  }
0x9c: {  	s6 =	simm.s32 $0x0;
	s20 =	sshll.u32 s4, $0x1;
	s4 =	sadd.s32 s21, s2  }
0x9d: {  	[timem:s6], [sflag:s22] =	dma.local [hbm:s4], s20  }
0x9e: {  	_ =	swait.ge [sflag:s22], s20  }
0x9f: {  	s3 =	ssub.s32 $0x0, s20;
	[sflag:s22] =	ssyncset.done $0x0  }
0xa0: {  	[sflag:s22] =	ssyncadd.s32 s3;
	_ =	sdelay $0x1  }
0xa1: {  	s23 =	simm.s32 $0x1B8B  }
0xa2: {  	_ =	swait.ge [sflag:s23], $0x1  }
0xa3: {  	[sflag:s23] =	ssyncset.done $0x0  }
0xa4: {  	s25 =	simm.s32 $0x1B8E;
	s24 =	sld [smem:$0x3FFE];
	[sflag:s23] =	ssyncadd.s32 $0xFFFFFFFF  }
0xa5: {  	s26 =	simm.s32 $execute0_lowered;
	[smem:$0x3FD2] =	sst s25  }
0xa6: {  	s4 =	sshll.u32 s26, $0x1;
	_ =	strace $0x80000049;
	[dreg:$0x1] =	wrdreg $0xFFFFFFFF  }
0xa7: {  	s28 =	simm.s32 $_size_execute0_lowered;
	s2 =	sadd.s32 s2, s4;
	[dreg:$0x0] =	wrdreg $0x0  }
0xa8: {  	s4 =	sshll.u32 s28, $0x1;
	[dreg:$0x2] =	wrdreg s2  }
0xa9: {  	[dreg:$0x3] =	wrdreg s4  }
0xaa: {  	[dreg:$0x4] =	wrdreg $0xC0  }
0xab: {  	_ =	task [dreg:s6], $0x5FFFF  }
0xac: {  	[dreg:$0x1] =	wrdreg $0xFFFFFFFF  }
0xad: {  	[dreg:$0x0] =	wrdreg $0x60  }
0xae: {  	[dreg:$0x2] =	wrdreg s24  }
0xaf: {  	[dreg:$0x3] =	wrdreg $0x76200  }
0xb0: {  	[dreg:$0x4] =	wrdreg $0x9  }
0xb1: {  	_ =	task.clear_ibuf [dreg:s6], $0x5FFFF;
	_ =	strace $0x90000049  }
0xb2: {  	s29 =	simm.s32 $0x9;
	_ =	strace $0x8000004B  }
0xb3: {  	_ =	swait.ge [sflag:s29], $0x1  }
0xb4: {  	[sflag:s29] =	ssyncadd.s32 $0xFFFFFFFF  }
0xb5: {  	_ =	strace $0x9000004B  }
0xb6: {  	_ =	sfence  }
0xb7: {  	s30 =	sld [smem:$0x0];
	_ =	sdelay $0x2  }
0xb8: {  	s31 =	sshll.u32 s1, $0xD;
	s1 =	sshrl.u32 s1, $0x2  }
0xb9: {  	s3 =	sand.u32 $0x4000, s31;
	s1 =	sadd.s32 s1, s30  }
0xba: {  	s0 =	sor.u32 s3, s0;
	s1 =	sshll.u32 s1, $0x11  }
0xbb: {  	s0 =	sor.u32 s1, s0  }
0xbc: {  	s0 =	sadd.s32 $0x8F2B, s0  }
0xbd: {  	[sflag:s0] =	ssyncadd.remote.s32 $0x1  }
0xbe: {  	_ =	sfence.sel $0xFFFF  }
0xbf: {  	[dreg:$0x0] =	wrdreg $0xFFFFFFFF;
	(pc) =	sbr.abs _section_cstart, $3  }
0xc0: {  	[dreg:$0x1] =	wrdreg $0xFFFFFFFF  }
0xc1: {  	_ =	task.clear_ibuf [dreg:s6], $0x2FFFF;
	_ =	strace $0x9FFFFFFF  }
0xc2: {  	(tm) =	ssettm $0x7FFFFFFF  }
0xc3: {  	_ =	shalt  }
tec
execute0_lowered:
.L_overlay_start_1:
0x0: {  	(tag) =	ssettag $0x1  }
0x1: {  	s5 =	rddreg [dreg:$0x0]  }
0x2: {  	s0 =	srdreg.scid;
	s1 =	rddreg [dreg:$0x1]  }
0x3: {  	s11 =	stileid.u32;
	s2 =	simm.s32 $0x0;
	s16 =	simm.s32 $0x4E20  }
0x4: {  	s17 =	simm.s32 $0x1;
	s6 =	sand.u32 $0x1, s0;
	s0 =	rddreg [dreg:$0x2]  }
0x5: {  	s18 =	simm.s32 $0x0;
	[smem:$0x7FF] =	sst s2;
	s10 =	smul.u32 $0x4E000, s11  }
0x6: {  	s4 =	sadd.s32 $0x3BC00, s5;
	s12 =	sadd.s32 $0x3E400, s5;
	s25 =	smul.u32 $0x2700, s11  }
0x7: {  	s28 =	sshll.u32 s11, $0x6;
	s15 =	sadd.s32 $0x138000, s1;
	p0 =	sne.s32 s11, $0x0  }
0x8: {  	s3 =	sshll.u32 s6, $0x4;
	_ =	strace $0x8000004A;
	s29 =	smul.u32 $0x138800, s6  }
0x9: {  	s8 =	ssub.s32 $0x2, s6;
	s30 =	smul.u32 $0x27100, s6;
	s3 =	sor.u32 s11, s3  }
0xa: {  	s9 =	sshrl.u32 s8, $0x1;
	s26 =	sshrl.u32 s10, $0x2;
	s3 =	smul.u32 $0x4E2, s3  }
0xb: {  	s13 =	ssub.s32 s8, s9;
	s10 =	sshrl.u32 s29, $0x3;
	s8 =	sadd.s32 s25, s30  }
0xc: {  	s14 =	sadd.s32 s26, s1;
	s31 =	sadd.s32 s12, s10;
	s8 =	sadd.s32 s12, s8  }
0xd: {  	s10 =	smax.u32 s13, $0x1;
	s11 =	sshrl.u32 s14, $0x3;
	s12 =	simm.s32 $0x2  }
0xe: {  	s13 =	sshrl.u32 @!p0 s15, $0x3;
	s14 =	simm.s32 $0x2710;
	s15 =	simm.s32 $0x50  }
0xf: {  	s7 =	sadd.s32 s3, s5;
	s3 =	sadd.s32 $0x14A00, s5;
	s5 =	sor.u32 $0x1C02, s28  }
0x10: {  	s9 =	sadd.s32 $0x27000, s31;
	s6 =	sadd.s32 $0xAC00, s7;
	s7 =	sadd.s32 $0xE00, s7  }
.LBB2_1:
0x11: {  	[spmem:s11], [sflag:s5] =	dma.local [hbm:s4], $0x2700  }
0x12: {  	_ =	swait.ge [sflag:s12], $0x2700  }
0x13: {  	[sflag:s12] =	ssyncset.done $0x0  }
0x14: {  	s19 =	simm.s32 @!p0 $0x2;
	[sflag:s12] =	ssyncadd.s32 $0xFFFFD900  }
0x15: {  	[spmem:s13], [sflag:s5] =	dma.local @!p0 [hbm:s4], $0x180  }
0x16: {  	_ =	swait.ge @!p0 [sflag:s19], $0x180  }
0x17: {  	[sflag:s19] =	ssyncset.done @!p0 $0x0  }
0x18: {  	[sflag:s19] =	ssyncadd.s32 @!p0 $0xFFFFFE80  }
0x19: {  	[tilespmem:s2], [sflag:$0x2] =	stream.linear.gather [hbm4b:s6+s2], $0x2710, $0x38;
	[tilespmem:$0x1AEE0] =	vst v63  }
0x1a: {  	_ =	swait.ge [sflag:s12], $0x2710  }
0x1b: {  	[sflag:s12] =	ssyncset.done $0x0  }
0x1c: {  	[sflag:s12] =	ssyncadd.s32 $0xFFFFD8F0  }
0x1d: {  	[tilespmem:s14], [sflag:$0x2] =	stream.linear.gather [hbm4b:s7+s2], $0x2710, $0x38;
	[tilespmem:$0x1AEE0] =	vst v63  }
0x1e: {  	_ =	swait.ge [sflag:s12], $0x2710  }
0x1f: {  	[sflag:s12] =	ssyncset.done $0x0  }
0x20: {  	[sflag:s12] =	ssyncadd.s32 $0xFFFFD8F0  }
0x21: {  	s30 =	simm.s32 $0x0;
	[bflag:$0x0] =	sbarrier.arrive $0xFFFF  }
0x22: {  	[tilespmem:s16], [sflag:$0x1] =	stream.indirect.gather [hbm4b:s3+s15], $0x80, s30, s15, $0xb8;
	[tilespmem:$0x1AEE0] =	vst v63  }
0x23: {  	_ =	swait.ge [sflag:s17], $0x2800  }
0x24: {  	[sflag:s17] =	ssyncset.done $0x0  }
0x25: {  	s31 =	simm.s32 $0x2710;
	[sflag:s17] =	ssyncadd.s32 $0xFFFFD800  }
0x26: {  	[spmem:s1] =	stream.indirect.scatter.add.f32 [tilespmem:s16], [sflag:$0x2], $0x80, s31, s15, $0xb8;
	[tilespmem:$0x1AEE0] =	vst v63  }
0x27: {  	_ =	swait.ge [sflag:s12], $0x2800  }
0x28: {  	s20 =	simm.s32 $0x280;
	s19 =	simm.s32 $0x140;
	[sflag:s12] =	ssyncset.done $0x0  }
.LBB2_2:
0x29: {  	s21 =	sshra.s32 s19, $0x2  }
0x2a: {  	[sflag:s12] =	ssyncadd.s32 $0xFFFFD800;
	s19 =	smov.u32 s20;
	s22 =	sadd.s32 $0x140, s20  }
0x2b: {  	[tilespmem:s16], [sflag:$0x1] =	stream.indirect.gather [hbm4b:s3+s15], $0x80, s21, s15, $0xb8;
	[tilespmem:$0x1AEE0] =	vst v63  }
0x2c: {  	p1 =	sne.s32 s20, $0x9B00;
	_ =	swait.ge [sflag:s17], $0x2800  }
.Ltmp0:
0x2d: {  	[sflag:s17] =	ssyncset.done $0x0;
	(pc) =	sbr.rel @p1 .LBB2_2-.Ltmp0, $4  }
0x2e: {  	s20 =	sadd.s32 $0x2710, s21;
	[sflag:s17] =	ssyncadd.s32 $0xFFFFD800  }
0x2f: {  	[spmem:s1] =	stream.indirect.scatter.add.f32 [tilespmem:s16], [sflag:$0x2], $0x80, s20, s15, $0xb8;
	[tilespmem:$0x1AEE0] =	vst v63  }
0x30: {  	_ =	swait.ge [sflag:s12], $0x2800  }
0x31: {  	s20 =	smov.u32 s22;
	[sflag:s12] =	ssyncset.done $0x0  }
0x32: {  	s19 =	sshra.s32 s19, $0x2;
	[sflag:s12] =	ssyncadd.s32 $0xFFFFD800  }
0x33: {  	[tilespmem:s16], [sflag:$0x1] =	stream.indirect.gather [hbm4b:s3+s15], $0x80, s19, s15, $0xb8;
	[tilespmem:$0x1AEE0] =	vst v63  }
0x34: {  	_ =	swait.ge [sflag:s17], $0x2800  }
0x35: {  	[sflag:s17] =	ssyncset.done $0x0  }
0x36: {  	s19 =	sadd.s32 $0x2710, s19;
	[sflag:s17] =	ssyncadd.s32 $0xFFFFD800  }
0x37: {  	[spmem:s1] =	stream.indirect.scatter.add.f32 [tilespmem:s16], [sflag:$0x2], $0x80, s19, s15, $0xb8;
	[tilespmem:$0x1AEE0] =	vst v63  }
0x38: {  	_ =	swait.ge [sflag:s12], $0x2800  }
0x39: {  	[sflag:s12] =	ssyncset.done $0x0  }
0x3a: {  	[sflag:s12] =	ssyncadd.s32 $0xFFFFD800  }
0x3b: {  	[bflag:$0x0] =	sbarrier.arrive $0xFFFF  }
0x3c: {  	[hbm:s8], [sflag:s5] =	dma.local [spmem:s11], $0x2700  }
0x3d: {  	s18 =	sadd.s32 $0x1, s18;
	_ =	swait.ge [sflag:s12], $0x2700  }
0x3e: {  	p1 =	sne.s32 s18, s10;
	[sflag:s12] =	ssyncset.done $0x0  }
.Ltmp1:
0x3f: {  	s19 =	simm.s32 @!p0 $0x2;
	[sflag:s12] =	ssyncadd.s32 $0xFFFFD900;
	(pc) =	sbr.rel @p1 .LBB2_1-.Ltmp1, $4  }
0x40: {  	[hbm:s9], [sflag:s5] =	dma.local @!p0 [spmem:s13], $0x100  }
0x41: {  	_ =	swait.ge @!p0 [sflag:s19], $0x100  }
0x42: {  	[sflag:s19] =	ssyncset.done @!p0 $0x0  }
0x43: {  	[sflag:s19] =	ssyncadd.s32 @!p0 $0xFFFFFF00  }
0x44: {  	_ =	sfence.sel $0x180000  }
0x45: {  	[bflag:$0x0] =	sbarrier.arrive $0xFFFF  }
0x46: {  	_ =	strace $0x9000004A  }
0x47: {  	s0 =	sadd.s32 @!p0 $0x100000, s0;
	[bflag:$0x2] =	sbarrier.arrive $0xFFFF  }
0x48: {  	[sflag:s0] =	ssyncadd.tile.s32 @!p0 $0x1;
	_ =	shalt  }
.Lfunc_end2:
_tile_overlayer_lowered:
.L_overlay_start_2:
0x49: {  	(tag) =	ssettag $0x2  }
0x4a: {  	s0 =	rddreg [dreg:$0x0];
	s2 =	stileid.u32  }
0x4b: {  	s1 =	rddreg [dreg:$0x1];
	p0 =	sne.s32 s2, $0x0  }
0x4c: {  	s3 =	rddreg [dreg:$0x2];
	[bflag:$0x3] =	sbarrier.arrive $0xFFFF;
	s2 =	simm.s32 @!p0 $0x1C02  }
0x4d: {  	[timem:s3], [sflag:s2] =	dma.local @!p0 [hbm:s0], s1  }
0x4e: {  	s0 =	simm.s32 @!p0 $0x2  }
0x4f: {  	_ =	swait.ge @!p0 [sflag:s0], s1  }
0x50: {  	s1 =	ssub.s32 @!p0 $0x0, s1;
	[sflag:s0] =	ssyncset.done @!p0 $0x0  }
0x51: {  	[sflag:s0] =	ssyncadd.s32 @!p0 s1  }
0x52: {  	[bflag:$0x3] =	sbarrier.arrive $0xFFFF  }
0x53: {  	_ =	shalt  }

// kernel: kernel.15.cloned.1.call-start
scs
__scs_entry_jumppad:
0x0: {  	(pc) =	sbr.rel $0x88, $3  }
0x1: {  	(tag) =	ssettag $0x0;
	lr =	simm.s32 $0x1  }
0x2: {  	[smem:$0x3F96] =	sst lr;
	_ =	strace $0xD0000000  }
0x3: {  	_ = 	snop  }
0x4: {  	_ = 	snop  }
0x5: {  	_ = 	snop  }
0x6: {  	_ = 	snop  }
0x7: {  	_ = 	snop  }
__scs_overlays_trampoline_lowered:
0x8: {  	[smem:$0x3FA5] =	sst s0  }
0x9: {  	[smem:$0x3FA6] =	sst s1  }
0xa: {  	[smem:$0x3FA7] =	sst s2  }
0xb: {  	[smem:$0x3FA8] =	sst s3  }
0xc: {  	[smem:$0x3FA9] =	sst s4  }
0xd: {  	[smem:$0x3FAA] =	sst s5  }
0xe: {  	[smem:$0x3FAB] =	sst s6  }
0xf: {  	[smem:$0x3FAC] =	sst s7  }
0x10: {  	[smem:$0x3FAD] =	sst s8  }
0x11: {  	[smem:$0x3FAE] =	sst s9;
	s0 =	simm.s32 @!p0 $0x0  }
0x12: {  	s1 =	sld [smem:$0x3F94];
	s0 =	simm.s32 @p0 $0x1  }
0x13: {  	[smem:$0x3FAF] =	sst s0;
	s0 =	simm.s32 @!p1 $0x0  }
0x14: {  	s2 =	sld [smem:$0x3F93];
	s0 =	simm.s32 @p1 $0x1  }
0x15: {  	[smem:$0x3FB0] =	sst s0;
	s0 =	simm.s32 @!p2 $0x0  }
0x16: {  	s3 =	sld [smem:$0x3FDB];
	s0 =	simm.s32 @p2 $0x1  }
0x17: {  	s4 =	simm.s32 $0x1BF5;
	[smem:$0x3FB2] =	sst s0  }
0x18: {  	s0 =	sld [smem:$0x3F95];
	_ =	swait.ge [sflag:s4], $0x0  }
0x19: {  	s7 =	sld [smem:$0x3F96]  }
0x1a: {  	s8 =	sadd.s32 $0xFFFFE003, lr  }
0x1b: {  	s9 =	sadd.s32 $0xFFFFFEF7, lr;
	s5 =	simm.s32 $0xFFFFFFFF;
	p2 =	slt.u32 s8, $0xFFFFF086  }
0x1c: {  	p1 =	slt.u32 s9, $0xF7A;
	s5 =	simm.s32 @!p2 $0x0  }
0x1d: {  	s5 =	simm.s32 @p1 $0x1;
	p0 =	seq.s32 s7, s2  }
0x1e: {  	s7 =	smul.u32 @!p0 $0xF7A, s2;
	p2 =	seq.s32 @!p0 s5, $0x0  }
0x1f: {  	s9 =	smul.u32 $0xF7A, s1;
	s8 =	simm.s32 @!p0 $0x1BF5;
	p2 =	por !p2, p0  }
0x20: {  	[sflag:s8] =	ssyncset.s32 @!p0 $0xFFFFF086;
	s6 =	sadd.s32 @!p0 s3, s7;
	s7 =	simm.s32 @!p0 $0x108  }
0x21: {  	s3 =	sadd.s32 s3, s9;
	s6 =	sadd.s32 @!p0 $0x88, s6;
	s7 =	simm.s32 @p2 $0x1082  }
0x22: {  	[simem:s7], [sflag:s8] =	dma.local @!p0 [hbm:s6], $0xF7A  }
0x23: {  	s9 =	sor.u32 $0xD0000000, s2;
	s6 =	simm.s32 $0x108;
	_ =	swait.ge @!p0 [sflag:s8], $0x0  }
0x24: {  	s3 =	sadd.s32 $0x88, s3;
	s6 =	simm.s32 @!p1 $0x1082;
	[sflag:s4] =	ssyncset.s32 $0xFFFFF086  }
0x25: {  	[simem:s6], [sflag:s4] =	dma.local [hbm:s3], $0xF7A  }
0x26: {  	[smem:$0x3F96] =	sst s1;
	(tag) =	ssettag s2;
	_ =	strace s9  }
0x27: {  	s1 =	sld [smem:$0x3FA6]  }
0x28: {  	s2 =	sld [smem:$0x3FA7]  }
0x29: {  	s4 =	sld [smem:$0x3FA9]  }
0x2a: {  	p0 =	seq.s32 s5, $0x0;
	s5 =	sld [smem:$0x3FAA]  }
0x2b: {  	s6 =	sld [smem:$0x3FAB]  }
0x2c: {  	s7 =	sld [smem:$0x3FAC]  }
0x2d: {  	s3 =	simm.s32 $0x108;
	s8 =	sld [smem:$0x3FAD]  }
0x2e: {  	s3 =	simm.s32 @!p0 $0x1082;
	s9 =	sld [smem:$0x3FAE]  }
0x2f: {  	lr =	sadd.s32 s0, s3;
	s0 =	sld [smem:$0x3FA5]  }
0x30: {  	s3 =	sld [smem:$0x3FA8]  }
0x31: {  	[smem:$0x3FB1] =	sst s10  }
0x32: {  	s10 =	sld [smem:$0x3FAF];
	_ =	sdelay $0x3  }
0x33: {  	p0 =	seq.s32 s10, $0x1;
	s10 =	sld [smem:$0x3FB1];
	_ =	sdelay $0x3  }
0x34: {  	[smem:$0x3FB1] =	sst s10  }
0x35: {  	s10 =	sld [smem:$0x3FB0];
	_ =	sdelay $0x3  }
0x36: {  	p1 =	seq.s32 s10, $0x1;
	s10 =	sld [smem:$0x3FB1];
	_ =	sdelay $0x3  }
0x37: {  	[smem:$0x3FB1] =	sst s10  }
0x38: {  	s10 =	sld [smem:$0x3FB2]  }
0x39: {  	_ = 	snop;
	(pc) =	sbr.ind lr, $3  }
0x3a: {  	_ = 	snop  }
0x3b: {  	_ = 	snop  }
0x3c: {  	p2 =	seq.s32 s10, $0x1;
	s10 =	sld [smem:$0x3FB1]  }
0x3d: {  	_ =	shalt  }
0x3e: {  	_ =	shalt  }
0x3f: {  	_ =	shalt  }
0x40: {  	_ =	shalt  }
0x41: {  	_ =	shalt  }
0x42: {  	_ =	shalt  }
0x43: {  	_ =	shalt  }
0x44: {  	_ =	shalt  }
0x45: {  	_ =	shalt  }
0x46: {  	_ =	shalt  }
0x47: {  	_ =	shalt  }
0x48: {  	_ =	shalt  }
0x49: {  	_ =	shalt  }
0x4a: {  	_ =	shalt  }
0x4b: {  	_ =	shalt  }
0x4c: {  	_ =	shalt  }
0x4d: {  	_ =	shalt  }
0x4e: {  	_ =	shalt  }
0x4f: {  	_ =	shalt  }
0x50: {  	_ =	shalt  }
0x51: {  	_ =	shalt  }
0x52: {  	_ =	shalt  }
0x53: {  	_ =	shalt  }
0x54: {  	_ =	shalt  }
0x55: {  	_ =	shalt  }
0x56: {  	_ =	shalt  }
0x57: {  	_ =	shalt  }
0x58: {  	_ =	shalt  }
0x59: {  	_ =	shalt  }
0x5a: {  	_ =	shalt  }
0x5b: {  	_ =	shalt  }
0x5c: {  	_ =	shalt  }
0x5d: {  	_ =	shalt  }
0x5e: {  	_ =	shalt  }
0x5f: {  	_ =	shalt  }
0x60: {  	_ =	shalt  }
0x61: {  	_ =	shalt  }
0x62: {  	_ =	shalt  }
0x63: {  	_ =	shalt  }
0x64: {  	_ =	shalt  }
0x65: {  	_ =	shalt  }
0x66: {  	_ =	shalt  }
0x67: {  	_ =	shalt  }
0x68: {  	_ =	shalt  }
0x69: {  	_ =	shalt  }
0x6a: {  	_ =	shalt  }
0x6b: {  	_ =	shalt  }
0x6c: {  	_ =	shalt  }
0x6d: {  	_ =	shalt  }
0x6e: {  	_ =	shalt  }
0x6f: {  	_ =	shalt  }
0x70: {  	_ =	shalt  }
0x71: {  	_ =	shalt  }
0x72: {  	_ =	shalt  }
0x73: {  	_ =	shalt  }
0x74: {  	_ =	shalt  }
0x75: {  	_ =	shalt  }
0x76: {  	_ =	shalt  }
0x77: {  	_ =	shalt  }
0x78: {  	_ =	shalt  }
0x79: {  	_ =	shalt  }
0x7a: {  	_ =	shalt  }
0x7b: {  	_ =	shalt  }
0x7c: {  	_ =	shalt  }
0x7d: {  	_ =	shalt  }
0x7e: {  	_ =	shalt  }
0x7f: {  	_ =	shalt  }
0x80: {  	_ =	shalt  }
0x81: {  	_ =	shalt  }
0x82: {  	_ =	shalt  }
0x83: {  	_ =	shalt  }
0x84: {  	_ =	shalt  }
0x85: {  	_ =	shalt  }
0x86: {  	_ =	shalt  }
0x87: {  	_ =	shalt  }
.Lfunc_end0:
.L_simem_size_0:
called_computation.2_lowered:
.L_overlay_start_0:
0x88: {  	s2 =	sld [smem:$0x3FD9]  }
0x89: {  	s3 =	sld [smem:$0x3FFE];
	_ =	sdelay $0x1  }
0x8a: {  	s1 =	srdreg.scid  }
0x8b: {  	s0 =	sand.u32 $0x1, s1  }
0x8c: {  	s17 =	sshll.u32 s0, $0xA;
	s2 =	sadd.s32 s3, s2  }
0x8d: {  	s2 =	sadd.s32 s2, s17  }
0x8e: {  	[smem:$0x3FBD] =	sst s2  }
0x8f: {  	_ = 	snop  }
0x90: {  	s2 =	sld [smem:$0x3FD0];
	(tm) =	ssettm $0x1  }
0x91: {  	s18 =	sld [smem:$0x3FFB];
	_ =	sdelay $0x3  }
0x92: {  	_ =	strace s18  }
0x93: {  	s3 =	sld [smem:$0x3FFC];
	_ =	sdelay $0x3  }
0x94: {  	_ =	strace s3  }
0x95: {  	s3 =	sld [smem:$0x3FFD];
	_ =	sdelay $0x3  }
0x96: {  	_ =	strace s3  }
0x97: {  	_ =	strace $0x8FFFFFFF  }
0x98: {  	s19 =	sld [smem:$0x3FDB];
	_ =	sdelay $0x1  }
0x99: {  	s4 =	simm.s32 $_scs_section_size  }
0x9a: {  	s5 =	simm.s32 $_size__tile_overlayer_lowered;
	s6 =	simm.s32 $_tile_overlayer_lowered  }
0x9b: {  	s22 =	simm.s32 $0x1BFF;
	s21 =	sshll.u32 s6, $0x1;
	s3 =	sadd.s32 s4, s19  }
0x9c: {  	s7 =	simm.s32 $0x0;
	s20 =	sshll.u32 s5, $0x1;
	s5 =	sadd.s32 s21, s3  }
0x9d: {  	[timem:s7], [sflag:s22] =	dma.local [hbm:s5], s20  }
0x9e: {  	_ =	swait.ge [sflag:s22], s20  }
0x9f: {  	s4 =	ssub.s32 $0x0, s20;
	[sflag:s22] =	ssyncset.done $0x0  }
0xa0: {  	[sflag:s22] =	ssyncadd.s32 s4;
	_ =	sdelay $0x1  }
0xa1: {  	s23 =	simm.s32 $0x1B8B  }
0xa2: {  	_ =	swait.ge [sflag:s23], $0x1  }
0xa3: {  	[sflag:s23] =	ssyncset.done $0x0  }
0xa4: {  	s25 =	simm.s32 $0x1B8E;
	s24 =	sld [smem:$0x3FFE];
	[sflag:s23] =	ssyncadd.s32 $0xFFFFFFFF  }
0xa5: {  	s26 =	simm.s32 $execute0_lowered;
	[smem:$0x3FD2] =	sst s25  }
0xa6: {  	s5 =	sshll.u32 s26, $0x1;
	_ =	strace $0x8000004C;
	[dreg:$0x1] =	wrdreg $0xFFFFFFFF  }
0xa7: {  	s28 =	simm.s32 $_size_execute0_lowered;
	s3 =	sadd.s32 s3, s5;
	[dreg:$0x0] =	wrdreg $0x0  }
0xa8: {  	s5 =	sshll.u32 s28, $0x1;
	[dreg:$0x2] =	wrdreg s3  }
0xa9: {  	[dreg:$0x3] =	wrdreg s5  }
0xaa: {  	[dreg:$0x4] =	wrdreg $0xC0  }
0xab: {  	_ =	task [dreg:s7], $0x5FFFF  }
0xac: {  	[dreg:$0x1] =	wrdreg $0xFFFFFFFF  }
0xad: {  	[dreg:$0x0] =	wrdreg $0x60  }
0xae: {  	[dreg:$0x2] =	wrdreg s24  }
0xaf: {  	[dreg:$0x3] =	wrdreg s2  }
0xb0: {  	[dreg:$0x4] =	wrdreg $0x14000  }
0xb1: {  	[dreg:$0x5] =	wrdreg $0x3B180  }
0xb2: {  	[dreg:$0x6] =	wrdreg $0x9  }
0xb3: {  	_ =	task.clear_ibuf [dreg:s7], $0x7FFFF;
	_ =	strace $0x9000004C  }
0xb4: {  	s29 =	simm.s32 $0x9;
	_ =	strace $0x8000004E  }
0xb5: {  	_ =	swait.ge [sflag:s29], $0x1  }
0xb6: {  	[sflag:s29] =	ssyncadd.s32 $0xFFFFFFFF  }
0xb7: {  	_ =	strace $0x9000004E  }
0xb8: {  	_ =	sfence  }
0xb9: {  	s30 =	sld [smem:$0x0];
	_ =	sdelay $0x2  }
0xba: {  	s31 =	sshll.u32 s1, $0xD;
	s1 =	sshrl.u32 s1, $0x2  }
0xbb: {  	s3 =	sand.u32 $0x4000, s31;
	s1 =	sadd.s32 s1, s30  }
0xbc: {  	s0 =	sor.u32 s3, s0;
	s1 =	sshll.u32 s1, $0x11  }
0xbd: {  	s0 =	sor.u32 s1, s0  }
0xbe: {  	s0 =	sadd.s32 $0x8F2B, s0  }
0xbf: {  	[sflag:s0] =	ssyncadd.remote.s32 $0x1  }
0xc0: {  	_ =	sfence.sel $0xFFFF  }
0xc1: {  	[dreg:$0x0] =	wrdreg $0xFFFFFFFF;
	(pc) =	sbr.abs _section_cstart, $3  }
0xc2: {  	[dreg:$0x1] =	wrdreg $0xFFFFFFFF  }
0xc3: {  	_ =	task.clear_ibuf [dreg:s7], $0x2FFFF;
	_ =	strace $0x9FFFFFFF  }
0xc4: {  	(tm) =	ssettm $0x7FFFFFFF  }
0xc5: {  	_ =	shalt  }
tec
execute0_lowered:
.L_overlay_start_1:
0x0: {  	(tag) =	ssettag $0x1  }
0x1: {  	s0 =	rddreg [dreg:$0x0]  }
0x2: {  	s2 =	rddreg [dreg:$0x2]  }
0x3: {  	s3 =	rddreg [dreg:$0x3]  }
0x4: {  	s4 =	simm.s32 $0x0;
	s1 =	srdreg.scid;
	s6 =	stileid.u32  }
0x5: {  	s30 =	simm.s32 $0x9;
	s31 =	simm.s32 $0x200;
	s8 =	smul.u32 $0x2700, s6  }
0x6: {  	[smem:$0x7FF] =	sst s4;
	s1 =	sand.u32 $0x1, s1;
	s21 =	smul.u32 $0x4E0, s6  }
0x7: {  	s5 =	sadd.s32 $0x96600, s0;
	s10 =	sadd.s32 $0x8C600, s0;
	s26 =	smul.u32 $0x50, s6  }
0x8: {  	s12 =	sadd.s32 $0x5E00, s0;
	p0 =	sne.s32 s6, $0x0;
	s15 =	smul.u32 $0x500, s1  }
0x9: {  	_ =	strace $0x8000004D;
	s7 =	sshll.u32 s1, $0x4;
	s28 =	smul.u32 $0x4E20, s1  }
0xa: {  	s9 =	ssub.s32 $0x2, s1;
	s1 =	smul.u32 $0x27100, s1;
	s7 =	sor.u32 s6, s7  }
0xb: {  	s11 =	sshrl.u32 s9, $0x1;
	s6 =	sshll.u32 s6, $0x6;
	s7 =	smul.u32 $0x500, s7  }
0xc: {  	s9 =	ssub.s32 s9, s11;
	s17 =	sadd.s32 s21, s28;
	s1 =	sshrl.u32 s1, $0x3  }
0xd: {  	s21 =	sshrl.u32 s8, $0x3;
	s29 =	sor.u32 $0x1C09, s6;
	s28 =	sadd.s32 $0x27000, s2  }
0xe: {  	s6 =	simm.s32 $0x300;
	s11 =	simm.s32 $0x1;
	[dreg:$0x16] =	wrdreg s28  }
0xf: {  	s1 =	sadd.s32 s12, s1;
	[dreg:$0xe] =	wrdreg s29;
	s13 =	sadd.s32 s5, s7  }
0x10: {  	s22 =	sadd.s32 s10, s7;
	s23 =	sor.u32 $0x10, s7;
	[dreg:$0x5] =	wrdreg s13  }
0x11: {  	s24 =	sor.u32 $0x20, s7;
	[dreg:$0x6] =	wrdreg s22;
	s14 =	sadd.s32 s5, s23  }
0x12: {  	s7 =	sor.u32 $0x30, s7;
	s13 =	sadd.s32 s10, s23;
	[dreg:$0x7] =	wrdreg s14  }
0x13: {  	s25 =	sadd.s32 s5, s24;
	s16 =	sadd.s32 s5, s7;
	[dreg:$0x8] =	wrdreg s13  }
0x14: {  	s7 =	sadd.s32 s10, s7;
	s22 =	sadd.s32 s8, s2;
	[dreg:$0x9] =	wrdreg s25  }
0x15: {  	s23 =	sadd.s32 s8, s3;
	s8 =	simm.s32 $0x380;
	[dreg:$0xb] =	wrdreg s16  }
0x16: {  	s14 =	sadd.s32 s10, s24;
	s13 =	sadd.s32 s26, s15;
	[dreg:$0xc] =	wrdreg s7  }
0x17: {  	s7 =	sadd.s32 s12, s17;
	[dreg:$0xf] =	wrdreg s22;
	s24 =	sadd.s32 $0x4E00, s1  }
0x18: {  	s25 =	smax.u32 s9, $0x1;
	s26 =	sshrl.u32 s23, $0x3;
	[dreg:$0xa] =	wrdreg s14  }
0x19: {  	s1 =	simm.s32 $0x280;
	s9 =	simm.s32 $0x5;
	[dreg:$0xd] =	wrdreg s7  }
0x1a: {  	s12 =	simm.s32 $0x6;
	s22 =	simm.s32 $0x3;
	[dreg:$0x12] =	wrdreg s24  }
0x1b: {  	s23 =	simm.s32 $0x7;
	s18 =	sshll.u32 s13, $0x4;
	[dreg:$0x13] =	wrdreg s25  }
0x1c: {  	[dreg:$0x14] =	wrdreg s26;
	s7 =	simm.s32 $0x180;
	s13 =	simm.s32 $0xC00  }
0x1d: {  	s24 =	simm.s32 $0x4;
	s25 =	simm.s32 $0x8;
	s26 =	simm.s32 $0x0  }
0x1e: {  	s19 =	sor.u32 $0x60, s18;
	s16 =	sadd.s32 s18, s5;
	s17 =	sadd.s32 s18, s10  }
0x1f: {  	s20 =	sor.u32 $0x40, s18;
	s14 =	sadd.s32 s19, s5;
	s15 =	sadd.s32 s19, s10  }
.Ltmp0:
0x20: {  	s18 =	sadd.s32 s20, s5;
	s19 =	sadd.s32 s20, s10;
	(pc) =	sbr.rel .LBB2_1-.Ltmp0, $4  }
0x21: {  	s5 =	sadd.s32 s21, s0;
	s0 =	sadd.s32 $0x5C00, s0;
	s10 =	simm.s32 $0x400  }
0x22: {  	s5 =	sadd.s32 $0xE00, s5;
	[dreg:$0x11] =	wrdreg s0;
	s0 =	sadd.s32 $0x27000, s3  }
0x23: {  	s21 =	simm.s32 $0x2;
	[dreg:$0x10] =	wrdreg s5;
	s0 =	sshrl.u32 @!p0 s0, $0x3  }
0x24: {  	s5 =	simm.s32 $0x100;
	[dreg:$0x15] =	wrdreg s0;
	s0 =	simm.s32 $0x80  }
.LBB2_4:
0x25: {  	_ =	swait.ge [sflag:s24], $0x800  }
0x26: {  	[sflag:s24] =	ssyncset.done $0x0  }
0x27: {  	[sflag:s24] =	ssyncadd.s32 $0xFFFFF800  }
0x28: {  	[bflag:$0x0] =	sbarrier.arrive $0xFFFF  }
0x29: {  	s20 =	rddreg [dreg:$0xd]  }
0x2a: {  	s29 =	rddreg [dreg:$0xe]  }
0x2b: {  	s30 =	simm.s32 $0x9;
	s28 =	rddreg [dreg:$0x17]  }
0x2c: {  	[hbm:s20], [sflag:s29] =	dma.local [spmem:s28], $0x4E0  }
0x2d: {  	_ =	swait.ge [sflag:s30], $0x4E0  }
0x2e: {  	[sflag:s30] =	ssyncset.done $0x0;
	s20 =	rddreg [dreg:$0x12]  }
0x2f: {  	s28 =	rddreg [dreg:$0x18];
	[sflag:s30] =	ssyncadd.s32 $0xFFFFFB20  }
0x30: {  	[hbm:s20], [sflag:s29] =	dma.local @!p0 [spmem:s28], $0x20  }
0x31: {  	s20 =	simm.s32 @!p0 $0x9  }
0x32: {  	_ =	swait.ge @!p0 [sflag:s20], $0x20  }
0x33: {  	s26 =	sadd.s32 $0x1, s26;
	s28 =	rddreg [dreg:$0x13]  }
0x34: {  	p1 =	sne.s32 s26, s28  }
.Ltmp1:
0x35: {  	_ = 	snop;
	(pc) =	sbr.rel @!p1 .LBB2_5-.Ltmp1, $3  }
0x36: {  	_ =	sdelay $0x1  }
0x37: {  	[sflag:s20] =	ssyncset.done @!p0 $0x0  }
0x38: {  	[sflag:s20] =	ssyncadd.s32 @!p0 $0xFFFFFFE0  }
.LBB2_1:
0x39: {  	s20 =	rddreg [dreg:$0xf]  }
0x3a: {  	s28 =	sshrl.u32 s20, $0x3;
	s20 =	rddreg [dreg:$0x1]  }
0x3b: {  	[dreg:$0x17] =	wrdreg s28  }
0x3c: {  	[spmem:s28], [sflag:s29] =	dma.local [hbm:s20], $0x4E0  }
0x3d: {  	_ =	swait.ge [sflag:s30], $0x4E0  }
0x3e: {  	s20 =	smov.u32 s26;
	[sflag:s30] =	ssyncset.done $0x0;
	s28 =	rddreg [dreg:$0x10]  }
0x3f: {  	s26 =	simm.s32 $0x9;
	[sflag:s30] =	ssyncadd.s32 $0xFFFFFB20;
	s30 =	rddreg [dreg:$0x14]  }
0x40: {  	[spmem:s30], [sflag:s29] =	dma.local [hbm:s28], $0x4E0  }
0x41: {  	_ =	swait.ge [sflag:s26], $0x4E0  }
0x42: {  	[sflag:s26] =	ssyncset.done $0x0;
	s28 =	rddreg [dreg:$0x16]  }
0x43: {  	[sflag:s26] =	ssyncadd.s32 $0xFFFFFB20;
	s26 =	smov.u32 s20;
	s20 =	sshrl.u32 @!p0 s28, $0x3  }
0x44: {  	[dreg:$0x18] =	wrdreg s20  }
0x45: {  	s28 =	rddreg [dreg:$0x1]  }
0x46: {  	[spmem:s20], [sflag:s29] =	dma.local @!p0 [hbm:s28], $0x30  }
0x47: {  	s28 =	simm.s32 @!p0 $0x9  }
0x48: {  	_ =	swait.ge @!p0 [sflag:s28], $0x30  }
0x49: {  	[sflag:s28] =	ssyncset.done @!p0 $0x0;
	s20 =	rddreg [dreg:$0x11]  }
0x4a: {  	s30 =	rddreg [dreg:$0x15];
	[sflag:s28] =	ssyncadd.s32 @!p0 $0xFFFFFFD0  }
0x4b: {  	[spmem:s30], [sflag:s29] =	dma.local @!p0 [hbm:s20], $0x20  }
0x4c: {  	_ =	swait.ge @!p0 [sflag:s28], $0x20  }
0x4d: {  	[sflag:s28] =	ssyncset.done @!p0 $0x0  }
0x4e: {  	[sflag:s28] =	ssyncadd.s32 @!p0 $0xFFFFFFE0  }
0x4f: {  	[bflag:$0x0] =	sbarrier.arrive $0xFFFF  }
0x50: {  	s29 =	rddreg [dreg:$0x5]  }
0x51: {  	[tilespmem:s4], [sflag:$0x5] =	stream.linear.gather [hbm4b:s29+s4], $0x80, $0x38;
	[tilespmem:$0x6228] =	vst v63  }
0x52: {  	s30 =	rddreg [dreg:$0x6]  }
0x53: {  	[tilespmem:s31], [sflag:$0x5] =	stream.linear.gather [hbm4b:s30+s4], $0x80, $0x38;
	[tilespmem:$0x6228] =	vst v63  }
0x54: {  	s29 =	rddreg [dreg:$0x7]  }
0x55: {  	[tilespmem:s0], [sflag:$0x6] =	stream.linear.gather [hbm4b:s29+s4], $0x80, $0x38;
	[tilespmem:$0x6228] =	vst v63  }
0x56: {  	s30 =	rddreg [dreg:$0x8]  }
0x57: {  	[tilespmem:s1], [sflag:$0x6] =	stream.linear.gather [hbm4b:s30+s4], $0x80, $0x38;
	[tilespmem:$0x6228] =	vst v63  }
0x58: {  	s29 =	rddreg [dreg:$0x9]  }
0x59: {  	[tilespmem:s5], [sflag:$0x7] =	stream.linear.gather [hbm4b:s29+s4], $0x80, $0x38;
	[tilespmem:$0x6228] =	vst v63  }
0x5a: {  	s30 =	rddreg [dreg:$0xa]  }
0x5b: {  	[tilespmem:s6], [sflag:$0x7] =	stream.linear.gather [hbm4b:s30+s4], $0x80, $0x38;
	[tilespmem:$0x6228] =	vst v63  }
0x5c: {  	s29 =	rddreg [dreg:$0xb]  }
0x5d: {  	[tilespmem:s7], [sflag:$0x8] =	stream.linear.gather [hbm4b:s29+s4], $0x80, $0x38;
	[tilespmem:$0x6228] =	vst v63  }
0x5e: {  	s30 =	rddreg [dreg:$0xc]  }
0x5f: {  	[tilespmem:s8], [sflag:$0x8] =	stream.linear.gather [hbm4b:s30+s4], $0x80, $0x38;
	[tilespmem:$0x6228] =	vst v63  }
0x60: {  	_ =	swait.ge [sflag:s9], $0x80  }
0x61: {  	[sflag:s9] =	ssyncset.done $0x0  }
0x62: {  	[sflag:s9] =	ssyncadd.s32 $0xFFFFFF80  }
0x63: {  	_ =	swait.ge [sflag:s9], $0x80  }
0x64: {  	[sflag:s9] =	ssyncset.done $0x0  }
0x65: {  	s28 =	simm.s32 $0x0;
	[sflag:s9] =	ssyncadd.s32 $0xFFFFFF80  }
0x66: {  	[tilespmem:s10], [sflag:$0x1] =	stream.indirect.gather [spmem:s3], $0x10, s4, s0, $0xb8;
	[tilespmem:$0x6228] =	vst v63  }
.LBB2_2:
0x67: {  	_ =	swait.ge [sflag:s11], $0x800  }
0x68: {  	p1 =	seq.s32 s28, $0x0;
	[sflag:s11] =	ssyncset.done $0x0  }
0x69: {  	s29 =	simm.s32 @!p1 $0x4;
	[sflag:s11] =	ssyncadd.s32 $0xFFFFF800  }
0x6a: {  	[spmem:s2] =	stream.indirect.scatter.add.f32 [tilespmem:s10], [sflag:$0x3], $0x10, s31, s0, $0xb8;
	[tilespmem:$0x6228] =	vst v63  }
0x6b: {  	_ =	swait.ge @!p1 [sflag:s29], $0x800  }
0x6c: {  	[sflag:s29] =	ssyncset.done @!p1 $0x0  }
0x6d: {  	[sflag:s29] =	ssyncadd.s32 @!p1 $0xFFFFF800;
	s29 =	sadd.s32 @!p1 s28, s16  }
0x6e: {  	s30 =	simm.s32 @!p1 $0x0;
	s20 =	simm.s32 @!p1 $0x180;
	s29 =	sadd.s32 @!p1 $0x30, s29  }
0x6f: {  	[tilespmem:s20], [sflag:$0x8] =	stream.linear.gather @!p1 [hbm4b:s29+s30], $0x80, $0x38;
	[tilespmem:$0x6228] =	vst v63  }
0x70: {  	s20 =	sadd.s32 @!p1 s28, s17  }
0x71: {  	s29 =	simm.s32 @!p1 $0x380;
	s20 =	sadd.s32 @!p1 $0x30, s20  }
0x72: {  	[tilespmem:s29], [sflag:$0x8] =	stream.linear.gather @!p1 [hbm4b:s20+s30], $0x80, $0x38;
	[tilespmem:$0x6228] =	vst v63  }
0x73: {  	_ =	swait.ge [sflag:s12], $0x80  }
0x74: {  	[sflag:s12] =	ssyncset.done $0x0  }
0x75: {  	[sflag:s12] =	ssyncadd.s32 $0xFFFFFF80  }
0x76: {  	_ =	swait.ge [sflag:s12], $0x80  }
0x77: {  	[sflag:s12] =	ssyncset.done $0x0  }
0x78: {  	[sflag:s12] =	ssyncadd.s32 $0xFFFFFF80  }
0x79: {  	[tilespmem:s13], [sflag:$0x2] =	stream.indirect.gather [spmem:s3], $0x10, s0, s0, $0xb8;
	[tilespmem:$0x6228] =	vst v63  }
0x7a: {  	_ =	swait.ge [sflag:s21], $0x800  }
0x7b: {  	[sflag:s21] =	ssyncset.done $0x0  }
0x7c: {  	[sflag:s21] =	ssyncadd.s32 $0xFFFFF800  }
0x7d: {  	[spmem:s2] =	stream.indirect.scatter.add.f32 [tilespmem:s13], [sflag:$0x4], $0x10, s1, s0, $0xb8;
	[tilespmem:$0x6228] =	vst v63  }
0x7e: {  	_ =	swait.ge [sflag:s22], $0x800  }
0x7f: {  	p1 =	seq.s32 s28, $0x4C0;
	[sflag:s22] =	ssyncset.done $0x0  }
0x80: {  	s20 =	sadd.s32 @!p1 s28, s18;
	s29 =	simm.s32 @!p1 $0x0;
	[sflag:s22] =	ssyncadd.s32 $0xFFFFF800  }
0x81: {  	[tilespmem:s29], [sflag:$0x5] =	stream.linear.gather @!p1 [hbm4b:s20+s29], $0x80, $0x38;
	[tilespmem:$0x6228] =	vst v63  }
0x82: {  	s30 =	simm.s32 @!p1 $0x200;
	s20 =	sadd.s32 @!p1 s28, s19  }
0x83: {  	[tilespmem:s30], [sflag:$0x5] =	stream.linear.gather @!p1 [hbm4b:s20+s29], $0x80, $0x38;
	[tilespmem:$0x6228] =	vst v63  }
0x84: {  	_ =	swait.ge [sflag:s23], $0x80  }
0x85: {  	[sflag:s23] =	ssyncset.done $0x0  }
0x86: {  	[sflag:s23] =	ssyncadd.s32 $0xFFFFFF80  }
0x87: {  	_ =	swait.ge [sflag:s23], $0x80  }
0x88: {  	[sflag:s23] =	ssyncset.done $0x0  }
0x89: {  	[sflag:s23] =	ssyncadd.s32 $0xFFFFFF80  }
0x8a: {  	[tilespmem:s10], [sflag:$0x1] =	stream.indirect.gather [spmem:s3], $0x10, s5, s0, $0xb8;
	[tilespmem:$0x6228] =	vst v63  }
0x8b: {  	_ =	swait.ge [sflag:s11], $0x800  }
0x8c: {  	[sflag:s11] =	ssyncset.done $0x0  }
0x8d: {  	[sflag:s11] =	ssyncadd.s32 $0xFFFFF800  }
0x8e: {  	[spmem:s2] =	stream.indirect.scatter.add.f32 [tilespmem:s10], [sflag:$0x3], $0x10, s6, s0, $0xb8;
	[tilespmem:$0x6228] =	vst v63  }
0x8f: {  	_ =	swait.ge [sflag:s24], $0x800  }
0x90: {  	s20 =	sadd.s32 @!p1 s28, s16;
	[sflag:s24] =	ssyncset.done $0x0  }
0x91: {  	s30 =	simm.s32 @!p1 $0x80;
	s20 =	sadd.s32 @!p1 $0x50, s20;
	[sflag:s24] =	ssyncadd.s32 $0xFFFFF800  }
0x92: {  	[tilespmem:s30], [sflag:$0x6] =	stream.linear.gather @!p1 [hbm4b:s20+s29], $0x80, $0x38;
	[tilespmem:$0x6228] =	vst v63  }
0x93: {  	s20 =	sadd.s32 @!p1 s28, s17  }
0x94: {  	s30 =	simm.s32 @!p1 $0x280;
	s20 =	sadd.s32 @!p1 $0x50, s20  }
0x95: {  	[tilespmem:s30], [sflag:$0x6] =	stream.linear.gather @!p1 [hbm4b:s20+s29], $0x80, $0x38;
	[tilespmem:$0x6228] =	vst v63  }
0x96: {  	_ =	swait.ge [sflag:s25], $0x80  }
0x97: {  	[sflag:s25] =	ssyncset.done $0x0  }
0x98: {  	[sflag:s25] =	ssyncadd.s32 $0xFFFFFF80  }
0x99: {  	_ =	swait.ge [sflag:s25], $0x80  }
0x9a: {  	[sflag:s25] =	ssyncset.done $0x0  }
0x9b: {  	[sflag:s25] =	ssyncadd.s32 $0xFFFFFF80  }
0x9c: {  	[tilespmem:s13], [sflag:$0x2] =	stream.indirect.gather [spmem:s3], $0x10, s7, s0, $0xb8;
	[tilespmem:$0x6228] =	vst v63  }
0x9d: {  	_ =	swait.ge [sflag:s21], $0x800  }
0x9e: {  	[sflag:s21] =	ssyncset.done $0x0  }
.Ltmp2:
0x9f: {  	[sflag:s21] =	ssyncadd.s32 $0xFFFFF800;
	(pc) =	sbr.rel @p1 .LBB2_4-.Ltmp2, $4  }
0xa0: {  	[spmem:s2] =	stream.indirect.scatter.add.f32 [tilespmem:s13], [sflag:$0x4], $0x10, s8, s0, $0xb8;
	[tilespmem:$0x6228] =	vst v63  }
0xa1: {  	_ =	swait.ge [sflag:s22], $0x800  }
0xa2: {  	[sflag:s22] =	ssyncset.done $0x0  }
0xa3: {  	[sflag:s22] =	ssyncadd.s32 $0xFFFFF800  }
0xa4: {  	s20 =	sadd.s32 s28, s14  }
0xa5: {  	[tilespmem:s5], [sflag:$0x7] =	stream.linear.gather [hbm4b:s20+s4], $0x80, $0x38;
	[tilespmem:$0x6228] =	vst v63  }
0xa6: {  	s30 =	sadd.s32 s28, s15  }
0xa7: {  	[tilespmem:s6], [sflag:$0x7] =	stream.linear.gather [hbm4b:s30+s4], $0x80, $0x38;
	[tilespmem:$0x6228] =	vst v63  }
0xa8: {  	_ =	swait.ge [sflag:s9], $0x80  }
0xa9: {  	[sflag:s9] =	ssyncset.done $0x0  }
.Ltmp3:
0xaa: {  	[sflag:s9] =	ssyncadd.s32 $0xFFFFFF80;
	(pc) =	sbr.rel .LBB2_2-.Ltmp3, $4  }
0xab: {  	_ =	swait.ge [sflag:s9], $0x80  }
0xac: {  	[sflag:s9] =	ssyncset.done $0x0  }
0xad: {  	s28 =	sadd.s32 $0x40, s28;
	[sflag:s9] =	ssyncadd.s32 $0xFFFFFF80  }
0xae: {  	[tilespmem:s10], [sflag:$0x1] =	stream.indirect.gather [spmem:s3], $0x10, s4, s0, $0xb8;
	[tilespmem:$0x6228] =	vst v63  }
.LBB2_5:
0xaf: {  	_ =	sfence.sel $0x180000  }
0xb0: {  	[bflag:$0x0] =	sbarrier.arrive $0xFFFF  }
0xb1: {  	_ =	strace $0x9000004D  }
0xb2: {  	[bflag:$0x2] =	sbarrier.arrive $0xFFFF  }
0xb3: {  	s0 =	rddreg [dreg:$0x4]  }
0xb4: {  	s0 =	sadd.s32 @!p0 $0x100000, s0  }
0xb5: {  	[sflag:s0] =	ssyncadd.tile.s32 @!p0 $0x1;
	_ =	shalt  }
.Lfunc_end2:
_tile_overlayer_lowered:
.L_overlay_start_2:
0xb6: {  	(tag) =	ssettag $0x2  }
0xb7: {  	s0 =	rddreg [dreg:$0x0];
	s2 =	stileid.u32  }
0xb8: {  	s1 =	rddreg [dreg:$0x1];
	p0 =	sne.s32 s2, $0x0  }
0xb9: {  	s3 =	rddreg [dreg:$0x2];
	[bflag:$0x3] =	sbarrier.arrive $0xFFFF;
	s2 =	simm.s32 @!p0 $0x1C09  }
0xba: {  	[timem:s3], [sflag:s2] =	dma.local @!p0 [hbm:s0], s1  }
0xbb: {  	s0 =	simm.s32 @!p0 $0x9  }
0xbc: {  	_ =	swait.ge @!p0 [sflag:s0], s1  }
0xbd: {  	s1 =	ssub.s32 @!p0 $0x0, s1;
	[sflag:s0] =	ssyncset.done @!p0 $0x0  }
0xbe: {  	[sflag:s0] =	ssyncadd.s32 @!p0 s1  }
0xbf: {  	[bflag:$0x3] =	sbarrier.arrive $0xFFFF  }
0xc0: {  	_ =	shalt  }

// kernel: kernel.9.cloned.1.call-start
scs
__scs_entry_jumppad:
0x0: {  	(pc) =	sbr.rel $0x88, $3  }
0x1: {  	(tag) =	ssettag $0x0;
	lr =	simm.s32 $0x1  }
0x2: {  	[smem:$0x3F96] =	sst lr;
	_ =	strace $0xD0000000  }
0x3: {  	_ = 	snop  }
0x4: {  	_ = 	snop  }
0x5: {  	_ = 	snop  }
0x6: {  	_ = 	snop  }
0x7: {  	_ = 	snop  }
__scs_overlays_trampoline_lowered:
0x8: {  	[smem:$0x3FA5] =	sst s0  }
0x9: {  	[smem:$0x3FA6] =	sst s1  }
0xa: {  	[smem:$0x3FA7] =	sst s2  }
0xb: {  	[smem:$0x3FA8] =	sst s3  }
0xc: {  	[smem:$0x3FA9] =	sst s4  }
0xd: {  	[smem:$0x3FAA] =	sst s5  }
0xe: {  	[smem:$0x3FAB] =	sst s6  }
0xf: {  	[smem:$0x3FAC] =	sst s7  }
0x10: {  	[smem:$0x3FAD] =	sst s8  }
0x11: {  	[smem:$0x3FAE] =	sst s9;
	s0 =	simm.s32 @!p0 $0x0  }
0x12: {  	s1 =	sld [smem:$0x3F94];
	s0 =	simm.s32 @p0 $0x1  }
0x13: {  	[smem:$0x3FAF] =	sst s0;
	s0 =	simm.s32 @!p1 $0x0  }
0x14: {  	s2 =	sld [smem:$0x3F93];
	s0 =	simm.s32 @p1 $0x1  }
0x15: {  	[smem:$0x3FB0] =	sst s0;
	s0 =	simm.s32 @!p2 $0x0  }
0x16: {  	s3 =	sld [smem:$0x3FDB];
	s0 =	simm.s32 @p2 $0x1  }
0x17: {  	s4 =	simm.s32 $0x1BF5;
	[smem:$0x3FB2] =	sst s0  }
0x18: {  	s0 =	sld [smem:$0x3F95];
	_ =	swait.ge [sflag:s4], $0x0  }
0x19: {  	s7 =	sld [smem:$0x3F96]  }
0x1a: {  	s8 =	sadd.s32 $0xFFFFE003, lr  }
0x1b: {  	s9 =	sadd.s32 $0xFFFFFEF7, lr;
	s5 =	simm.s32 $0xFFFFFFFF;
	p2 =	slt.u32 s8, $0xFFFFF086  }
0x1c: {  	p1 =	slt.u32 s9, $0xF7A;
	s5 =	simm.s32 @!p2 $0x0  }
0x1d: {  	s5 =	simm.s32 @p1 $0x1;
	p0 =	seq.s32 s7, s2  }
0x1e: {  	s7 =	smul.u32 @!p0 $0xF7A, s2;
	p2 =	seq.s32 @!p0 s5, $0x0  }
0x1f: {  	s9 =	smul.u32 $0xF7A, s1;
	s8 =	simm.s32 @!p0 $0x1BF5;
	p2 =	por !p2, p0  }
0x20: {  	[sflag:s8] =	ssyncset.s32 @!p0 $0xFFFFF086;
	s6 =	sadd.s32 @!p0 s3, s7;
	s7 =	simm.s32 @!p0 $0x108  }
0x21: {  	s3 =	sadd.s32 s3, s9;
	s6 =	sadd.s32 @!p0 $0x88, s6;
	s7 =	simm.s32 @p2 $0x1082  }
0x22: {  	[simem:s7], [sflag:s8] =	dma.local @!p0 [hbm:s6], $0xF7A  }
0x23: {  	s9 =	sor.u32 $0xD0000000, s2;
	s6 =	simm.s32 $0x108;
	_ =	swait.ge @!p0 [sflag:s8], $0x0  }
0x24: {  	s3 =	sadd.s32 $0x88, s3;
	s6 =	simm.s32 @!p1 $0x1082;
	[sflag:s4] =	ssyncset.s32 $0xFFFFF086  }
0x25: {  	[simem:s6], [sflag:s4] =	dma.local [hbm:s3], $0xF7A  }
0x26: {  	[smem:$0x3F96] =	sst s1;
	(tag) =	ssettag s2;
	_ =	strace s9  }
0x27: {  	s1 =	sld [smem:$0x3FA6]  }
0x28: {  	s2 =	sld [smem:$0x3FA7]  }
0x29: {  	s4 =	sld [smem:$0x3FA9]  }
0x2a: {  	p0 =	seq.s32 s5, $0x0;
	s5 =	sld [smem:$0x3FAA]  }
0x2b: {  	s6 =	sld [smem:$0x3FAB]  }
0x2c: {  	s7 =	sld [smem:$0x3FAC]  }
0x2d: {  	s3 =	simm.s32 $0x108;
	s8 =	sld [smem:$0x3FAD]  }
0x2e: {  	s3 =	simm.s32 @!p0 $0x1082;
	s9 =	sld [smem:$0x3FAE]  }
0x2f: {  	lr =	sadd.s32 s0, s3;
	s0 =	sld [smem:$0x3FA5]  }
0x30: {  	s3 =	sld [smem:$0x3FA8]  }
0x31: {  	[smem:$0x3FB1] =	sst s10  }
0x32: {  	s10 =	sld [smem:$0x3FAF];
	_ =	sdelay $0x3  }
0x33: {  	p0 =	seq.s32 s10, $0x1;
	s10 =	sld [smem:$0x3FB1];
	_ =	sdelay $0x3  }
0x34: {  	[smem:$0x3FB1] =	sst s10  }
0x35: {  	s10 =	sld [smem:$0x3FB0];
	_ =	sdelay $0x3  }
0x36: {  	p1 =	seq.s32 s10, $0x1;
	s10 =	sld [smem:$0x3FB1];
	_ =	sdelay $0x3  }
0x37: {  	[smem:$0x3FB1] =	sst s10  }
0x38: {  	s10 =	sld [smem:$0x3FB2]  }
0x39: {  	_ = 	snop;
	(pc) =	sbr.ind lr, $3  }
0x3a: {  	_ = 	snop  }
0x3b: {  	_ = 	snop  }
0x3c: {  	p2 =	seq.s32 s10, $0x1;
	s10 =	sld [smem:$0x3FB1]  }
0x3d: {  	_ =	shalt  }
0x3e: {  	_ =	shalt  }
0x3f: {  	_ =	shalt  }
0x40: {  	_ =	shalt  }
0x41: {  	_ =	shalt  }
0x42: {  	_ =	shalt  }
0x43: {  	_ =	shalt  }
0x44: {  	_ =	shalt  }
0x45: {  	_ =	shalt  }
0x46: {  	_ =	shalt  }
0x47: {  	_ =	shalt  }
0x48: {  	_ =	shalt  }
0x49: {  	_ =	shalt  }
0x4a: {  	_ =	shalt  }
0x4b: {  	_ =	shalt  }
0x4c: {  	_ =	shalt  }
0x4d: {  	_ =	shalt  }
0x4e: {  	_ =	shalt  }
0x4f: {  	_ =	shalt  }
0x50: {  	_ =	shalt  }
0x51: {  	_ =	shalt  }
0x52: {  	_ =	shalt  }
0x53: {  	_ =	shalt  }
0x54: {  	_ =	shalt  }
0x55: {  	_ =	shalt  }
0x56: {  	_ =	shalt  }
0x57: {  	_ =	shalt  }
0x58: {  	_ =	shalt  }
0x59: {  	_ =	shalt  }
0x5a: {  	_ =	shalt  }
0x5b: {  	_ =	shalt  }
0x5c: {  	_ =	shalt  }
0x5d: {  	_ =	shalt  }
0x5e: {  	_ =	shalt  }
0x5f: {  	_ =	shalt  }
0x60: {  	_ =	shalt  }
0x61: {  	_ =	shalt  }
0x62: {  	_ =	shalt  }
0x63: {  	_ =	shalt  }
0x64: {  	_ =	shalt  }
0x65: {  	_ =	shalt  }
0x66: {  	_ =	shalt  }
0x67: {  	_ =	shalt  }
0x68: {  	_ =	shalt  }
0x69: {  	_ =	shalt  }
0x6a: {  	_ =	shalt  }
0x6b: {  	_ =	shalt  }
0x6c: {  	_ =	shalt  }
0x6d: {  	_ =	shalt  }
0x6e: {  	_ =	shalt  }
0x6f: {  	_ =	shalt  }
0x70: {  	_ =	shalt  }
0x71: {  	_ =	shalt  }
0x72: {  	_ =	shalt  }
0x73: {  	_ =	shalt  }
0x74: {  	_ =	shalt  }
0x75: {  	_ =	shalt  }
0x76: {  	_ =	shalt  }
0x77: {  	_ =	shalt  }
0x78: {  	_ =	shalt  }
0x79: {  	_ =	shalt  }
0x7a: {  	_ =	shalt  }
0x7b: {  	_ =	shalt  }
0x7c: {  	_ =	shalt  }
0x7d: {  	_ =	shalt  }
0x7e: {  	_ =	shalt  }
0x7f: {  	_ =	shalt  }
0x80: {  	_ =	shalt  }
0x81: {  	_ =	shalt  }
0x82: {  	_ =	shalt  }
0x83: {  	_ =	shalt  }
0x84: {  	_ =	shalt  }
0x85: {  	_ =	shalt  }
0x86: {  	_ =	shalt  }
0x87: {  	_ =	shalt  }
.Lfunc_end0:
.L_simem_size_0:
called_computation_lowered:
.L_overlay_start_0:
0x88: {  	s2 =	sld [smem:$0x3FD9]  }
0x89: {  	s3 =	sld [smem:$0x3FFE];
	_ =	sdelay $0x1  }
0x8a: {  	s1 =	srdreg.scid  }
0x8b: {  	s0 =	sand.u32 $0x1, s1  }
0x8c: {  	s17 =	sshll.u32 s0, $0xA;
	s2 =	sadd.s32 s3, s2  }
0x8d: {  	s2 =	sadd.s32 s2, s17  }
0x8e: {  	[smem:$0x3FBD] =	sst s2  }
0x8f: {  	_ = 	snop  }
0x90: {  	s2 =	sld [smem:$0x3FD0];
	(tm) =	ssettm $0x1  }
0x91: {  	s18 =	sld [smem:$0x3FFB];
	_ =	sdelay $0x3  }
0x92: {  	_ =	strace s18  }
0x93: {  	s3 =	sld [smem:$0x3FFC];
	_ =	sdelay $0x3  }
0x94: {  	_ =	strace s3  }
0x95: {  	s3 =	sld [smem:$0x3FFD];
	_ =	sdelay $0x3  }
0x96: {  	_ =	strace s3  }
0x97: {  	_ =	strace $0x8FFFFFFF  }
0x98: {  	s19 =	sld [smem:$0x3FDB];
	_ =	sdelay $0x1  }
0x99: {  	s4 =	simm.s32 $_scs_section_size  }
0x9a: {  	s5 =	simm.s32 $_size__tile_overlayer_lowered;
	s6 =	simm.s32 $_tile_overlayer_lowered  }
0x9b: {  	s22 =	simm.s32 $0x1BFF;
	s21 =	sshll.u32 s6, $0x1;
	s3 =	sadd.s32 s4, s19  }
0x9c: {  	s7 =	simm.s32 $0x0;
	s20 =	sshll.u32 s5, $0x1;
	s5 =	sadd.s32 s21, s3  }
0x9d: {  	[timem:s7], [sflag:s22] =	dma.local [hbm:s5], s20  }
0x9e: {  	_ =	swait.ge [sflag:s22], s20  }
0x9f: {  	s4 =	ssub.s32 $0x0, s20;
	[sflag:s22] =	ssyncset.done $0x0  }
0xa0: {  	[sflag:s22] =	ssyncadd.s32 s4;
	_ =	sdelay $0x1  }
0xa1: {  	s23 =	simm.s32 $0x1B8B  }
0xa2: {  	_ =	swait.ge [sflag:s23], $0x1  }
0xa3: {  	[sflag:s23] =	ssyncset.done $0x0  }
0xa4: {  	s25 =	simm.s32 $0x1B8E;
	s24 =	sld [smem:$0x3FFE];
	[sflag:s23] =	ssyncadd.s32 $0xFFFFFFFF  }
0xa5: {  	s26 =	simm.s32 $execute0_lowered;
	[smem:$0x3FD2] =	sst s25  }
0xa6: {  	s5 =	sshll.u32 s26, $0x1;
	_ =	strace $0x80000046;
	[dreg:$0x1] =	wrdreg $0xFFFFFFFF  }
0xa7: {  	s28 =	simm.s32 $_size_execute0_lowered;
	s3 =	sadd.s32 s3, s5;
	[dreg:$0x0] =	wrdreg $0x0  }
0xa8: {  	s5 =	sshll.u32 s28, $0x1;
	[dreg:$0x2] =	wrdreg s3  }
0xa9: {  	[dreg:$0x3] =	wrdreg s5  }
0xaa: {  	[dreg:$0x4] =	wrdreg $0xC0  }
0xab: {  	_ =	task [dreg:s7], $0x5FFFF  }
0xac: {  	[dreg:$0x1] =	wrdreg $0xFFFFFFFF  }
0xad: {  	[dreg:$0x0] =	wrdreg $0x60  }
0xae: {  	[dreg:$0x2] =	wrdreg s24  }
0xaf: {  	[dreg:$0x3] =	wrdreg s2  }
0xb0: {  	[dreg:$0x4] =	wrdreg $0x7B200  }
0xb1: {  	[dreg:$0x5] =	wrdreg $0x1B3E00  }
0xb2: {  	[dreg:$0x6] =	wrdreg $0x9  }
0xb3: {  	_ =	task.clear_ibuf [dreg:s7], $0x7FFFF;
	_ =	strace $0x90000046  }
0xb4: {  	s29 =	simm.s32 $0x9;
	_ =	strace $0x80000048  }
0xb5: {  	_ =	swait.ge [sflag:s29], $0x1  }
0xb6: {  	[sflag:s29] =	ssyncadd.s32 $0xFFFFFFFF  }
0xb7: {  	_ =	strace $0x90000048  }
0xb8: {  	_ =	sfence  }
0xb9: {  	s30 =	sld [smem:$0x0];
	_ =	sdelay $0x2  }
0xba: {  	s31 =	sshll.u32 s1, $0xD;
	s1 =	sshrl.u32 s1, $0x2  }
0xbb: {  	s3 =	sand.u32 $0x4000, s31;
	s1 =	sadd.s32 s1, s30  }
0xbc: {  	s0 =	sor.u32 s3, s0;
	s1 =	sshll.u32 s1, $0x11  }
0xbd: {  	s0 =	sor.u32 s1, s0  }
0xbe: {  	s0 =	sadd.s32 $0x8F2B, s0  }
0xbf: {  	[sflag:s0] =	ssyncadd.remote.s32 $0x1  }
0xc0: {  	_ =	sfence.sel $0xFFFF  }
0xc1: {  	[dreg:$0x0] =	wrdreg $0xFFFFFFFF;
	(pc) =	sbr.abs _section_cstart, $3  }
0xc2: {  	[dreg:$0x1] =	wrdreg $0xFFFFFFFF  }
0xc3: {  	_ =	task.clear_ibuf [dreg:s7], $0x2FFFF;
	_ =	strace $0x9FFFFFFF  }
0xc4: {  	(tm) =	ssettm $0x7FFFFFFF  }
0xc5: {  	_ =	shalt  }
tec
execute0_lowered:
.L_overlay_start_1:
0x0: {  	(tag) =	ssettag $0x1  }
0x1: {  	s1 =	rddreg [dreg:$0x0]  }
0x2: {  	s2 =	srdreg.scid;
	s19 =	stileid.u32  }
0x3: {  	s3 =	rddreg [dreg:$0x3];
	s23 =	simm.s32 $0x50;
	s24 =	simm.s32 $0x4E20  }
0x4: {  	s25 =	simm.s32 $0x1;
	s26 =	simm.s32 $0x0;
	s8 =	sand.u32 $0x1, s2  }
0x5: {  	s2 =	rddreg [dreg:$0x2];
	s6 =	sadd.s32 $0x3BC00, s1;
	s10 =	smul.u32 $0x4E000, s19  }
0x6: {  	s7 =	sadd.s32 $0x3E400, s1;
	s16 =	sadd.s32 $0x48400, s1;
	s12 =	smul.u32 $0x9C00, s19  }
0x7: {  	s14 =	smul.u32 $0x270, s19;
	s29 =	sshll.u32 s19, $0x6;
	p0 =	sne.s32 s19, $0x0  }
0x8: {  	s4 =	sshll.u32 s8, $0x4;
	s9 =	ssub.s32 $0x2, s8;
	s15 =	smul.u32 $0x2710, s8  }
0x9: {  	s8 =	sor.u32 $0x1C02, s29;
	s5 =	sor.u32 s19, s4;
	s4 =	simm.s32 $0x0  }
0xa: {  	s11 =	sshrl.u32 s9, $0x1;
	s28 =	sshrl.u32 s10, $0x2;
	s30 =	sshrl.u32 s12, $0x2  }
0xb: {  	s10 =	sadd.s32 $0x138000, s2;
	s5 =	smul.u32 $0x4E2, s5;
	[smem:$0x7FF] =	sst s4  }
0xc: {  	s18 =	ssub.s32 s9, s11;
	s20 =	sadd.s32 s28, s2;
	s9 =	sadd.s32 s30, s3  }
0xd: {  	s11 =	sadd.s32 $0x27000, s3;
	s17 =	sadd.s32 s14, s15;
	s21 =	sadd.s32 $0x2700, s15  }
0xe: {  	_ =	strace $0x80000047;
	s14 =	sshll.u32 s17, $0x4;
	s17 =	sshll.u32 s17, $0x1  }
0xf: {  	s31 =	sshll.u32 s21, $0x4;
	s21 =	sshll.u32 s21, $0x1;
	s18 =	smax.u32 s18, $0x1  }
0x10: {  	s19 =	sshrl.u32 s20, $0x3;
	s20 =	simm.s32 $0x2;
	s13 =	sadd.s32 s5, s1  }
0x11: {  	s5 =	sadd.s32 $0x14A00, s1;
	s1 =	sadd.s32 $0x3E600, s1;
	s14 =	sadd.s32 s16, s14  }
0x12: {  	s16 =	sadd.s32 s16, s31;
	s12 =	sadd.s32 $0xAC00, s13;
	s13 =	sadd.s32 $0xE00, s13  }
0x13: {  	s15 =	sadd.s32 s1, s17;
	s17 =	sadd.s32 s1, s21;
	s21 =	simm.s32 $0x7620  }
.LBB2_1:
0x14: {  	[spmem:s19], [sflag:s8] =	dma.local [hbm:s6], $0x2700  }
0x15: {  	_ =	swait.ge [sflag:s20], $0x2700  }
0x16: {  	[sflag:s20] =	ssyncset.done $0x0  }
0x17: {  	[sflag:s20] =	ssyncadd.s32 $0xFFFFD900  }
0x18: {  	s28 =	sshrl.u32 s9, $0x3;
	s0 =	rddreg [dreg:$0x1]  }
0x19: {  	[spmem:s28], [sflag:s8] =	dma.local [hbm:s0], $0x4E0  }
0x1a: {  	_ =	swait.ge [sflag:s20], $0x4E0  }
0x1b: {  	[sflag:s20] =	ssyncset.done $0x0  }
0x1c: {  	[sflag:s20] =	ssyncadd.s32 $0xFFFFFB20  }
0x1d: {  	[tilespmem:s21], [sflag:$0x2] =	stream.linear.gather [hbm4b:s7+s4], $0x500, $0x38;
	[tilespmem:$0x1DAF8] =	vst v63  }
0x1e: {  	_ =	swait.ge [sflag:s20], $0x500  }
0x1f: {  	[sflag:s20] =	ssyncset.done $0x0  }
0x20: {  	s29 =	sshrl.u32 @!p0 s10, $0x3;
	s1 =	simm.s32 @!p0 $0x2;
	[sflag:s20] =	ssyncadd.s32 $0xFFFFFB00  }
0x21: {  	[spmem:s29], [sflag:s8] =	dma.local @!p0 [hbm:s6], $0x180  }
0x22: {  	_ =	swait.ge @!p0 [sflag:s1], $0x180  }
0x23: {  	[sflag:s1] =	ssyncset.done @!p0 $0x0  }
0x24: {  	s30 =	sshrl.u32 @!p0 s11, $0x3;
	[sflag:s1] =	ssyncadd.s32 @!p0 $0xFFFFFE80  }
0x25: {  	[spmem:s30], [sflag:s8] =	dma.local @!p0 [hbm:s0], $0x30  }
0x26: {  	_ =	swait.ge @!p0 [sflag:s1], $0x30  }
0x27: {  	[sflag:s1] =	ssyncset.done @!p0 $0x0  }
0x28: {  	[sflag:s1] =	ssyncadd.s32 @!p0 $0xFFFFFFD0  }
0x29: {  	[tilespmem:s4], [sflag:$0x2] =	stream.linear.gather [hbm4b:s12+s4], $0x2710, $0x38;
	[tilespmem:$0x1DAF8] =	vst v63  }
0x2a: {  	_ =	swait.ge [sflag:s20], $0x2710  }
0x2b: {  	[sflag:s20] =	ssyncset.done $0x0  }
0x2c: {  	s22 =	simm.s32 $0x2710;
	[sflag:s20] =	ssyncadd.s32 $0xFFFFD8F0  }
0x2d: {  	[tilespmem:s22], [sflag:$0x2] =	stream.linear.gather [hbm4b:s13+s4], $0x2710, $0x38;
	[tilespmem:$0x1DAF8] =	vst v63  }
0x2e: {  	_ =	swait.ge [sflag:s20], $0x2710  }
0x2f: {  	[sflag:s20] =	ssyncset.done $0x0  }
0x30: {  	[sflag:s20] =	ssyncadd.s32 $0xFFFFD8F0  }
0x31: {  	s0 =	simm.s32 $0x0;
	[bflag:$0x0] =	sbarrier.arrive $0xFFFF  }
0x32: {  	[tilespmem:s24], [sflag:$0x1] =	stream.indirect.gather [hbm4b:s5+s23], $0x80, s0, s23, $0xb8;
	[tilespmem:$0x1DAF8] =	vst v63  }
0x33: {  	_ =	swait.ge [sflag:s25], $0x2800  }
0x34: {  	[sflag:s25] =	ssyncset.done $0x0  }
0x35: {  	s22 =	simm.s32 $0x2710;
	[sflag:s25] =	ssyncadd.s32 $0xFFFFD800  }
0x36: {  	[spmem:s2] =	stream.indirect.scatter.add.f32 [tilespmem:s24], [sflag:$0x2], $0x80, s22, s23, $0xb8;
	[tilespmem:$0x1DAF8] =	vst v63  }
0x37: {  	_ =	swait.ge [sflag:s20], $0x2800  }
0x38: {  	[sflag:s20] =	ssyncset.done $0x0  }
0x39: {  	[sflag:s20] =	ssyncadd.s32 $0xFFFFD800  }
0x3a: {  	[spmem:s3] =	stream.indirect.scatter.add.f32 [tilespmem:s21], [sflag:$0x2], $0x10, s22, s23, $0xb8;
	[tilespmem:$0x1DAF8] =	vst v63  }
0x3b: {  	_ =	swait.ge [sflag:s20], $0x500  }
0x3c: {  	s31 =	simm.s32 $0x140;
	s1 =	simm.s32 $0x280;
	[sflag:s20] =	ssyncset.done $0x0  }
.LBB2_2:
0x3d: {  	s22 =	sshra.s32 s31, $0x2  }
0x3e: {  	[sflag:s20] =	ssyncadd.s32 $0xFFFFFB00;
	s31 =	smov.u32 s1;
	s0 =	sadd.s32 $0x140, s1  }
0x3f: {  	[tilespmem:s24], [sflag:$0x1] =	stream.indirect.gather [hbm4b:s5+s23], $0x80, s22, s23, $0xb8;
	[tilespmem:$0x1DAF8] =	vst v63  }
0x40: {  	p1 =	sne.s32 s1, $0x9B00;
	_ =	swait.ge [sflag:s25], $0x2800  }
0x41: {  	[sflag:s25] =	ssyncset.done $0x0  }
0x42: {  	s1 =	sadd.s32 $0x2710, s22;
	[sflag:s25] =	ssyncadd.s32 $0xFFFFD800  }
0x43: {  	[spmem:s2] =	stream.indirect.scatter.add.f32 [tilespmem:s24], [sflag:$0x2], $0x80, s1, s23, $0xb8;
	[tilespmem:$0x1DAF8] =	vst v63  }
0x44: {  	_ =	swait.ge [sflag:s20], $0x2800  }
.Ltmp0:
0x45: {  	[sflag:s20] =	ssyncset.done $0x0;
	(pc) =	sbr.rel @p1 .LBB2_2-.Ltmp0, $4  }
0x46: {  	[sflag:s20] =	ssyncadd.s32 $0xFFFFD800  }
0x47: {  	[spmem:s3] =	stream.indirect.scatter.add.f32 [tilespmem:s21], [sflag:$0x2], $0x10, s1, s23, $0xb8;
	[tilespmem:$0x1DAF8] =	vst v63  }
0x48: {  	_ =	swait.ge [sflag:s20], $0x500  }
0x49: {  	s1 =	smov.u32 s0;
	[sflag:s20] =	ssyncset.done $0x0  }
0x4a: {  	s0 =	sshra.s32 s31, $0x2;
	[sflag:s20] =	ssyncadd.s32 $0xFFFFFB00  }
0x4b: {  	[tilespmem:s24], [sflag:$0x1] =	stream.indirect.gather [hbm4b:s5+s23], $0x80, s0, s23, $0xb8;
	[tilespmem:$0x1DAF8] =	vst v63  }
0x4c: {  	_ =	swait.ge [sflag:s25], $0x2800  }
0x4d: {  	[sflag:s25] =	ssyncset.done $0x0  }
0x4e: {  	s0 =	sadd.s32 $0x2710, s0;
	[sflag:s25] =	ssyncadd.s32 $0xFFFFD800  }
0x4f: {  	[spmem:s2] =	stream.indirect.scatter.add.f32 [tilespmem:s24], [sflag:$0x2], $0x80, s0, s23, $0xb8;
	[tilespmem:$0x1DAF8] =	vst v63  }
0x50: {  	_ =	swait.ge [sflag:s20], $0x2800  }
0x51: {  	[sflag:s20] =	ssyncset.done $0x0  }
0x52: {  	[sflag:s20] =	ssyncadd.s32 $0xFFFFD800  }
0x53: {  	[spmem:s3] =	stream.indirect.scatter.add.f32 [tilespmem:s21], [sflag:$0x2], $0x10, s0, s23, $0xb8;
	[tilespmem:$0x1DAF8] =	vst v63  }
0x54: {  	_ =	swait.ge [sflag:s20], $0x500  }
0x55: {  	[sflag:s20] =	ssyncset.done $0x0  }
0x56: {  	[sflag:s20] =	ssyncadd.s32 $0xFFFFFB00  }
0x57: {  	[bflag:$0x0] =	sbarrier.arrive $0xFFFF  }
0x58: {  	[hbm:s14], [sflag:s8] =	dma.local [spmem:s19], $0x2700  }
0x59: {  	_ =	swait.ge [sflag:s20], $0x2700  }
0x5a: {  	[sflag:s20] =	ssyncset.done $0x0  }
0x5b: {  	[sflag:s20] =	ssyncadd.s32 $0xFFFFD900  }
0x5c: {  	[hbm:s15], [sflag:s8] =	dma.local [spmem:s28], $0x4E0  }
0x5d: {  	_ =	swait.ge [sflag:s20], $0x4E0  }
0x5e: {  	[sflag:s20] =	ssyncset.done $0x0  }
0x5f: {  	s0 =	simm.s32 @!p0 $0x2;
	[sflag:s20] =	ssyncadd.s32 $0xFFFFFB20  }
0x60: {  	[hbm:s16], [sflag:s8] =	dma.local @!p0 [spmem:s29], $0x100  }
0x61: {  	s26 =	sadd.s32 $0x1, s26;
	_ =	swait.ge @!p0 [sflag:s0], $0x100  }
0x62: {  	p1 =	sne.s32 s26, s18;
	[sflag:s0] =	ssyncset.done @!p0 $0x0  }
.Ltmp1:
0x63: {  	[sflag:s0] =	ssyncadd.s32 @!p0 $0xFFFFFF00;
	(pc) =	sbr.rel @p1 .LBB2_1-.Ltmp1, $4  }
0x64: {  	[hbm:s17], [sflag:s8] =	dma.local @!p0 [spmem:s30], $0x20  }
0x65: {  	_ =	swait.ge @!p0 [sflag:s0], $0x20  }
0x66: {  	[sflag:s0] =	ssyncset.done @!p0 $0x0  }
0x67: {  	[sflag:s0] =	ssyncadd.s32 @!p0 $0xFFFFFFE0  }
0x68: {  	_ =	sfence.sel $0x180000  }
0x69: {  	[bflag:$0x0] =	sbarrier.arrive $0xFFFF  }
0x6a: {  	_ =	strace $0x90000047  }
0x6b: {  	[bflag:$0x2] =	sbarrier.arrive $0xFFFF  }
0x6c: {  	s0 =	rddreg [dreg:$0x4]  }
0x6d: {  	s0 =	sadd.s32 @!p0 $0x100000, s0  }
0x6e: {  	[sflag:s0] =	ssyncadd.tile.s32 @!p0 $0x1;
	_ =	shalt  }
.Lfunc_end2:
_tile_overlayer_lowered:
.L_overlay_start_2:
0x6f: {  	(tag) =	ssettag $0x2  }
0x70: {  	s0 =	rddreg [dreg:$0x0];
	s2 =	stileid.u32  }
0x71: {  	s1 =	rddreg [dreg:$0x1];
	p0 =	sne.s32 s2, $0x0  }
0x72: {  	s3 =	rddreg [dreg:$0x2];
	[bflag:$0x3] =	sbarrier.arrive $0xFFFF;
	s2 =	simm.s32 @!p0 $0x1C02  }
0x73: {  	[timem:s3], [sflag:s2] =	dma.local @!p0 [hbm:s0], s1  }
0x74: {  	s0 =	simm.s32 @!p0 $0x2  }
0x75: {  	_ =	swait.ge @!p0 [sflag:s0], s1  }
0x76: {  	s1 =	ssub.s32 @!p0 $0x0, s1;
	[sflag:s0] =	ssyncset.done @!p0 $0x0  }
0x77: {  	[sflag:s0] =	ssyncadd.s32 @!p0 s1  }
0x78: {  	[bflag:$0x3] =	sbarrier.arrive $0xFFFF  }
0x79: {  	_ =	shalt  }

</sc_bundles>
